<compile_context>
chip_gen: v7x
topology: tpu7x:2x2x1
jax: 0.10.2.dev20260603
libtpu: 0.0.44.dev20260713+nightly
codegen_flags: <defaults>
</compile_context>

<pallas_src>
import jax
import jax.numpy as jnp
from jax import lax
from jax.experimental import pallas as pl
from jax.experimental.pallas import tpu as pltpu

_NEG_INF = float("-inf")
_BIG = 2147483647
_RPB = 8


def _beam_step_kernel(lp_ref, sums_ref, seq_ref, bsl_ref, st_ref,
                      seq_out_ref, ys_out_ref, out_ref, st_out_ref, scr_ref):
    R = lp_ref.shape[1]
    C = lp_ref.shape[2]
    KT = seq_ref.shape[2]
    K = R // _RPB
    T = KT // K
    cand = lp_ref[0] + sums_ref[0]
    scr_ref[...] = cand
    rowmax = jnp.max(cand, axis=1, keepdims=True)
    riota = lax.broadcasted_iota(jnp.int32, (R, 1), 0)
    ciota = lax.broadcasted_iota(jnp.int32, (1, C), 1)
    i8 = lax.broadcasted_iota(jnp.int32, (1, 8), 1)
    i16 = lax.broadcasted_iota(jnp.int32, (1, 16), 1)
    i10 = lax.broadcasted_iota(jnp.int32, (1, KT), 1)
    seq_row = seq_ref[0]
    ys_row = jnp.zeros((1, 8), jnp.float32)
    seq_out_row = jnp.zeros((1, 16), jnp.int32)
    for k in range(K):
        m = jnp.max(rowmax)
        r = jnp.min(jnp.where(rowmax == m, riota, _BIG))
        row = scr_ref[pl.ds(r, 1), :]
        c = jnp.min(jnp.where(row == m, ciota, _BIG))
        bix = r // _RPB
        six = (r - bix * _RPB) * C + c
        masked = jnp.where(ciota == c, _NEG_INF, row)
        scr_ref[pl.ds(r, 1), :] = masked
        rowmax = jnp.where(riota == r, jnp.max(masked), rowmax)
        ys_row = jnp.where(i8 == k, m, ys_row)
        for t in range(T):
            val = jnp.sum(jnp.where(i10 == bix * T + t, seq_row, 0))
            seq_out_row = jnp.where(i16 == k * (T + 1) + t, val, seq_out_row)
        seq_out_row = jnp.where(i16 == k * (T + 1) + T, six, seq_out_row)
        out_ref[0, pl.ds(k * (T + 1) * _RPB, T * _RPB), :] = (
            bsl_ref[0, pl.ds(bix * T * _RPB, T * _RPB), :])
        out_ref[0, pl.ds((k * (T + 1) + T) * _RPB, _RPB), :] = (
            lp_ref[0, pl.ds(bix * _RPB, _RPB), :])
        st_out_ref[:, 0, pl.ds(k, 1), :] = st_ref[:, 0, pl.ds(bix, 1), :]
    seq_out_ref[0] = seq_out_row
    ys_out_ref[0] = ys_row


def kernel(logprobs, beam_logprobs_sum, beam_seq, beam_seq_logprobs, state,
           beam_size):
    B, K = beam_logprobs_sum.shape
    V = logprobs.shape[-1]
    T = beam_seq.shape[-1]
    S, BK, D = state.shape
    R = K * _RPB
    C = V // _RPB

    lp40 = logprobs.reshape(B, R, C)
    sums40 = jnp.broadcast_to(beam_logprobs_sum[:, :, None],
                              (B, K, _RPB)).reshape(B, R, 1)
    seq3 = beam_seq.reshape(B, 1, K * T)
    bsl80 = beam_seq_logprobs.reshape(B, K * T * _RPB, C)
    st4 = state.reshape(S, B, K, D)

    out_shapes = (
        jax.ShapeDtypeStruct((B, 1, 16), jnp.int32),
        jax.ShapeDtypeStruct((B, 1, 8), jnp.float32),
        jax.ShapeDtypeStruct((B, K * (T + 1) * _RPB, C), jnp.float32),
        jax.ShapeDtypeStruct((S, B, K, D), jnp.float32),
    )
    seq_out, ys_out, out_big, st_out = pl.pallas_call(
        _beam_step_kernel,
        grid=(B,),
        in_specs=[
            pl.BlockSpec((1, R, C), lambda b: (b, 0, 0)),
            pl.BlockSpec((1, R, 1), lambda b: (b, 0, 0)),
            pl.BlockSpec((1, 1, K * T), lambda b: (b, 0, 0)),
            pl.BlockSpec((1, K * T * _RPB, C), lambda b: (b, 0, 0)),
            pl.BlockSpec((S, 1, K, D), lambda b: (0, b, 0, 0)),
        ],
        out_specs=[
            pl.BlockSpec((1, 1, 16), lambda b: (b, 0, 0)),
            pl.BlockSpec((1, 1, 8), lambda b: (b, 0, 0)),
            pl.BlockSpec((1, K * (T + 1) * _RPB, C), lambda b: (b, 0, 0)),
            pl.BlockSpec((S, 1, K, D), lambda b: (0, b, 0, 0)),
        ],
        out_shape=out_shapes,
        scratch_shapes=[pltpu.VMEM((R, C), jnp.float32)],
    )(lp40, sums40, seq3, bsl80, st4)

    new_beam_seq = seq_out[:, 0, :K * (T + 1)].reshape(B, K, T + 1)
    new_beam_logprobs_sum = ys_out[:, 0, :K]
    new_bsl = out_big.reshape(B, K, T + 1, V)
    new_state = st_out.reshape(S, B * K, D)
    return (new_beam_seq, new_bsl, new_beam_logprobs_sum, new_state)

# --- scband reference (transcript-rebuilt; emitter-appended) ---
"""Pipeline reference for scband-caption-model-45251775431013 (READ-ONLY COPY).

The authoritative reference and input builder live on the scoring server;
editing this copy changes nothing except your own understanding.
"""

import jax, jax.numpy as jnp
import numpy as np


def setup_inputs(seed: int = 0) -> dict:
    key = jax.random.key(seed)
    k1, k2, k3, k4, k5 = jax.random.split(key, 5)
    batch, beam, t, vocab, d_state = 16, 5, 2, 100000, 1024
    logprobs = jax.nn.log_softmax(
        jax.random.normal(k1, (batch * beam, vocab), dtype=jnp.float32), axis=-1)
    beam_logprobs_sum = jax.random.normal(k2, (batch, beam), dtype=jnp.float32)
    beam_seq = jax.random.randint(k3, (batch, beam, t), 0, vocab)
    beam_seq_logprobs = jax.random.normal(k4, (batch, beam, t, vocab), dtype=jnp.float32)
    state = jax.random.normal(k5, (2, batch * beam, d_state), dtype=jnp.float32)
    return {
        "logprobs": logprobs,
        "beam_logprobs_sum": beam_logprobs_sum,
        "beam_seq": beam_seq,
        "beam_seq_logprobs": beam_seq_logprobs,
        "state": state,
        "beam_size": 5,
    }


def reference(logprobs, beam_logprobs_sum, beam_seq, beam_seq_logprobs, state, beam_size):
    # Faithful JAX port of CaptionModel.beam_search's inner beam_step (t > 0 path).
    batch = beam_logprobs_sum.shape[0]
    vocab = logprobs.shape[-1]
    lp = logprobs.reshape(batch, -1, vocab)                      # [B, beam, V]
    candidate = beam_logprobs_sum[:, :, None] + lp               # [B, beam, V]
    flat = candidate.reshape(batch, -1)                          # [B, beam*V]
    order = jnp.argsort(-flat, axis=-1)                          # descending sort
    beam_size_static = beam_logprobs_sum.shape[1]
    ix = order[:, :beam_size_static] + 0 * beam_size             # [B, beam_size]
    ys = jnp.take_along_axis(flat, ix, axis=-1)
    beam_ix = ix // vocab
    selected_ix = ix % vocab
    state_ix = (beam_ix + jnp.arange(batch)[:, None] * lp.shape[1]).reshape(-1)
    # t > 0: rearrange beam history by chosen source beams
    new_beam_seq = jnp.take_along_axis(beam_seq, beam_ix[:, :, None], axis=1)
    new_beam_seq_logprobs = jnp.take_along_axis(
        beam_seq_logprobs, beam_ix[:, :, None, None], axis=1)
    new_beam_seq = jnp.concatenate([new_beam_seq, selected_ix[:, :, None]], axis=-1)
    new_beam_logprobs_sum = (
        jnp.take_along_axis(beam_logprobs_sum, beam_ix, axis=1)
        + jnp.take_along_axis(lp.reshape(batch, -1), ix, axis=1))
    beam_lp = jnp.take_along_axis(lp, beam_ix[:, :, None], axis=1)  # [B, beam_size, V]
    new_beam_seq_logprobs = jnp.concatenate(
        [new_beam_seq_logprobs, beam_lp[:, :, None, :]], axis=2)
    new_state = state[:, state_ix]
    return (new_beam_seq, new_beam_seq_logprobs, new_beam_logprobs_sum, new_state)

if __name__ == "__main__":
    import jax
    _d = setup_inputs()
    print(jax.jit(kernel)(*tuple(_d.values())))

</pallas_src>

<mosaic_0001>
module attributes {stable_mosaic.version = 14 : i64} {
  func.func @_beam_step_kernel(%arg0: i32, %arg1: memref<1x40x12500xf32, #tpu.memory_space<vmem>>, %arg2: memref<1x40x1xf32, #tpu.memory_space<vmem>>, %arg3: memref<1x1x10xi32, #tpu.memory_space<vmem>>, %arg4: memref<1x80x12500xf32, #tpu.memory_space<vmem>>, %arg5: memref<2x1x5x1024xf32, #tpu.memory_space<vmem>>, %arg6: memref<1x1x16xi32, #tpu.memory_space<vmem>>, %arg7: memref<1x1x8xf32, #tpu.memory_space<vmem>>, %arg8: memref<1x120x12500xf32, #tpu.memory_space<vmem>>, %arg9: memref<2x1x5x1024xf32, #tpu.memory_space<vmem>>, %arg10: memref<40x12500xf32, #tpu.memory_space<vmem>>) attributes {dimension_semantics = [#tpu.dimension_semantics<arbitrary>], iteration_bounds = array<i64: 16>, scalar_prefetch = 0 : i64, scratch_operands = 1 : i64, tpu.core_type = #tpu.core_type<tc>, window_params = [{transform_indices = @transform_0, window_bounds = array<i64: 1, 40, 12500>}, {transform_indices = @transform_1, window_bounds = array<i64: 1, 40, 1>}, {transform_indices = @transform_2, window_bounds = array<i64: 1, 1, 10>}, {transform_indices = @transform_3, window_bounds = array<i64: 1, 80, 12500>}, {transform_indices = @transform_4, window_bounds = array<i64: 2, 1, 5, 1024>}, {transform_indices = @transform_5, window_bounds = array<i64: 1, 1, 16>}, {transform_indices = @transform_6, window_bounds = array<i64: 1, 1, 8>}, {transform_indices = @transform_7, window_bounds = array<i64: 1, 120, 12500>}, {transform_indices = @transform_8, window_bounds = array<i64: 2, 1, 5, 1024>}]} {
    %get3A = arith.constant 0 : index
    %get3A_0 = arith.constant 0 : index
    %get3A_1 = arith.constant 0 : index
    %get3A_2 = vector.load %arg1[%get3A, %get3A_0, %get3A_1] : memref<1x40x12500xf32, #tpu.memory_space<vmem>>, vector<1x40x12500xf32>
    %get3A_3 = vector.shape_cast %get3A_2 : vector<1x40x12500xf32> to vector<40x12500xf32>
    %get3A_4 = arith.constant 0 : index
    %get3A_5 = arith.constant 0 : index
    %get3A_6 = arith.constant 0 : index
    %get3A_7 = vector.load %arg2[%get3A_4, %get3A_5, %get3A_6] : memref<1x40x1xf32, #tpu.memory_space<vmem>>, vector<1x40x1xf32>
    %get3A_8 = vector.shape_cast %get3A_7 : vector<1x40x1xf32> to vector<40x1xf32>
    %add3A = vector.broadcast %get3A_8 : vector<40x1xf32> to vector<40x12500xf32>
    %add3A_9 = arith.addf %get3A_3, %add3A : vector<40x12500xf32>
    %swap3A = arith.constant 0 : index
    %swap3A_10 = arith.constant 0 : index
    %swap3A_11 = vector.load %arg10[%swap3A, %swap3A_10] : memref<40x12500xf32, #tpu.memory_space<vmem>>, vector<40x12500xf32>
    tpu.vector_store %arg10[%swap3A, %swap3A_10], %add3A_9 {strides = array<i32>} : memref<40x12500xf32, #tpu.memory_space<vmem>>, vector<40x12500xf32>,
    %reduce_max3A = arith.constant dense<0xFF800000> : vector<40xf32>
    %reduce_max3A_12 = vector.multi_reduction <maximumf>, %add3A_9, %reduce_max3A [1] : vector<40x12500xf32> to vector<40xf32>
    %broadcast_in_dim3A = vector.shape_cast %reduce_max3A_12 : vector<40xf32> to vector<40x1xf32>
    %iota3A = tpu.iota {dimensions = array<i32: 0>} : vector<40x1xi32>
    %iota3A_13 = tpu.iota {dimensions = array<i32: 1>} : vector<1x12500xi32>
    %iota3A_14 = tpu.iota {dimensions = array<i32: 1>} : vector<1x8xi32>
    %iota3A_15 = tpu.iota {dimensions = array<i32: 1>} : vector<1x16xi32>
    %iota3A_16 = tpu.iota {dimensions = array<i32: 1>} : vector<1x10xi32>
    %get3A_17 = arith.constant 0 : index
    %get3A_18 = arith.constant 0 : index
    %get3A_19 = arith.constant 0 : index
    %get3A_20 = vector.load %arg3[%get3A_17, %get3A_18, %get3A_19] : memref<1x1x10xi32, #tpu.memory_space<vmem>>, vector<1x1x10xi32>
    %get3A_21 = vector.shape_cast %get3A_20 : vector<1x1x10xi32> to vector<1x10xi32>
    %broadcast_in_dim3A_22 = arith.constant 0.000000e+00 : f32
    %broadcast_in_dim3A_23 = vector.broadcast %broadcast_in_dim3A_22 : f32 to vector<1x8xf32>
    %broadcast_in_dim3A_24 = arith.constant 0 : i32
    %broadcast_in_dim3A_25 = vector.broadcast %broadcast_in_dim3A_24 : i32 to vector<1x16xi32>
    %reduce_max3A_26 = vector.shape_cast %broadcast_in_dim3A : vector<40x1xf32> to vector<1x40x1xf32>
    %reduce_max3A_27 = arith.constant dense<0xFF800000> : vector<1xf32>
    %reduce_max3A_28 = vector.multi_reduction <maximumf>, %reduce_max3A_26, %reduce_max3A_27 [1, 2] : vector<1x40x1xf32> to vector<1xf32>
    %reduce_max3A_29 = vector.shape_cast %reduce_max3A_28 : vector<1xf32> to vector<1x1x1xf32>
    %reduce_max3A_30 = vector.extract %reduce_max3A_29[0, 0, 0] : f32 from vector<1x1x1xf32>
    %eq3A = vector.broadcast %reduce_max3A_30 : f32 to vector<40x1xf32>
    %eq3A_31 = arith.cmpf oeq, %broadcast_in_dim3A, %eq3A : vector<40x1xf32>
    %jit3A = arith.constant 2147483647 : i32
    %broadcast_in_dim3A_32 = vector.broadcast %jit3A : i32 to vector<40x1xi32>
    %select_n3A = arith.select %eq3A_31, %iota3A, %broadcast_in_dim3A_32 : vector<40x1xi1>, vector<40x1xi32>
    %reduce_min3A = vector.shape_cast %select_n3A : vector<40x1xi32> to vector<1x40x1xi32>
    %reduce_min3A_33 = arith.constant dense<2147483647> : vector<1xi32>
    %reduce_min3A_34 = vector.multi_reduction <minsi>, %reduce_min3A, %reduce_min3A_33 [1, 2] : vector<1x40x1xi32> to vector<1xi32>
    %reduce_min3A_35 = vector.shape_cast %reduce_min3A_34 : vector<1xi32> to vector<1x1x1xi32>
    %reduce_min3A_36 = vector.extract %reduce_min3A_35[0, 0, 0] : i32 from vector<1x1x1xi32>
    %get3A_37 = arith.index_cast %reduce_min3A_36 : i32 to index
    %get3A_38 = arith.constant 0 : index
    %get3A_39 = vector.load %arg10[%get3A_37, %get3A_38] : memref<40x12500xf32, #tpu.memory_space<vmem>>, vector<1x12500xf32>
    %eq3A_40 = vector.broadcast %reduce_max3A_30 : f32 to vector<1x12500xf32>
    %eq3A_41 = arith.cmpf oeq, %get3A_39, %eq3A_40 : vector<1x12500xf32>
    %jit3A_42 = arith.constant 2147483647 : i32
    %broadcast_in_dim3A_43 = vector.broadcast %jit3A_42 : i32 to vector<1x12500xi32>
    %select_n3A_44 = arith.select %eq3A_41, %iota3A_13, %broadcast_in_dim3A_43 : vector<1x12500xi1>, vector<1x12500xi32>
    %reduce_min3A_45 = vector.shape_cast %select_n3A_44 : vector<1x12500xi32> to vector<1x1x12500xi32>
    %reduce_min3A_46 = arith.constant dense<2147483647> : vector<1xi32>
    %reduce_min3A_47 = vector.multi_reduction <minsi>, %reduce_min3A_45, %reduce_min3A_46 [1, 2] : vector<1x1x12500xi32> to vector<1xi32>
    %reduce_min3A_48 = vector.shape_cast %reduce_min3A_47 : vector<1xi32> to vector<1x1x1xi32>
    %reduce_min3A_49 = vector.extract %reduce_min3A_48[0, 0, 0] : i32 from vector<1x1x1xi32>
    %jit3A_50 = arith.constant 8 : i32
    %div3A = arith.divsi %reduce_min3A_36, %jit3A_50 : i32
    %sign3A = arith.constant 0 : i32
    %sign3A_51 = arith.cmpi sgt, %reduce_min3A_36, %sign3A : i32
    %sign3A_52 = arith.extui %sign3A_51 : i1 to i32
    %sign3A_53 = arith.constant 0 : i32
    %sign3A_54 = arith.cmpi slt, %reduce_min3A_36, %sign3A_53 : i32
    %sign3A_55 = arith.extui %sign3A_54 : i1 to i32
    %sign3A_56 = arith.subi %sign3A_52, %sign3A_55 : i32
    %sign3A_57 = arith.constant 0 : i32
    %sign3A_58 = arith.cmpi sgt, %jit3A_50, %sign3A_57 : i32
    %sign3A_59 = arith.extui %sign3A_58 : i1 to i32
    %sign3A_60 = arith.constant 0 : i32
    %sign3A_61 = arith.cmpi slt, %jit3A_50, %sign3A_60 : i32
    %sign3A_62 = arith.extui %sign3A_61 : i1 to i32
    %sign3A_63 = arith.subi %sign3A_59, %sign3A_62 : i32
    %ne3A = arith.cmpi ne, %sign3A_56, %sign3A_63 : i32
    %rem3A = arith.remsi %reduce_min3A_36, %jit3A_50 : i32
    %ne3A_64 = arith.constant 0 : i32
    %ne3A_65 = arith.cmpi ne, %rem3A, %ne3A_64 : i32
    %and3A = arith.andi %ne3A, %ne3A_65 : i1
    %sub3A = arith.constant 1 : i32
    %sub3A_66 = arith.subi %div3A, %sub3A : i32
    %select_n3A_67 = arith.select %and3A, %sub3A_66, %div3A : i32
    %mul3A = arith.constant 8 : i32
    %mul3A_68 = arith.muli %select_n3A_67, %mul3A : i32
    %sub3A_69 = arith.subi %reduce_min3A_36, %mul3A_68 : i32
    %mul3A_70 = arith.constant 12500 : i32
    %mul3A_71 = arith.muli %sub3A_69, %mul3A_70 : i32
    %add3A_72 = arith.addi %mul3A_71, %reduce_min3A_49 : i32
    %eq3A_73 = vector.broadcast %reduce_min3A_49 : i32 to vector<1x12500xi32>
    %eq3A_74 = arith.cmpi eq, %iota3A_13, %eq3A_73 : vector<1x12500xi32>
    %jit3A_75 = arith.constant 0xFF800000 : f32
    %broadcast_in_dim3A_76 = vector.broadcast %jit3A_75 : f32 to vector<1x12500xf32>
    %select_n3A_77 = arith.select %eq3A_74, %broadcast_in_dim3A_76, %get3A_39 : vector<1x12500xi1>, vector<1x12500xf32>
    %swap3A_78 = arith.index_cast %reduce_min3A_36 : i32 to index
    %swap3A_79 = arith.constant 0 : index
    %swap3A_80 = vector.load %arg10[%swap3A_78, %swap3A_79] : memref<40x12500xf32, #tpu.memory_space<vmem>>, vector<1x12500xf32>
    tpu.vector_store %arg10[%swap3A_78, %swap3A_79], %select_n3A_77 {strides = array<i32>} : memref<40x12500xf32, #tpu.memory_space<vmem>>, vector<1x12500xf32>,
    %eq3A_81 = vector.broadcast %reduce_min3A_36 : i32 to vector<40x1xi32>
    %eq3A_82 = arith.cmpi eq, %iota3A, %eq3A_81 : vector<40x1xi32>
    %reduce_max3A_83 = vector.shape_cast %select_n3A_77 : vector<1x12500xf32> to vector<1x1x12500xf32>
    %reduce_max3A_84 = arith.constant dense<0xFF800000> : vector<1xf32>
    %reduce_max3A_85 = vector.multi_reduction <maximumf>, %reduce_max3A_83, %reduce_max3A_84 [1, 2] : vector<1x1x12500xf32> to vector<1xf32>
    %reduce_max3A_86 = vector.shape_cast %reduce_max3A_85 : vector<1xf32> to vector<1x1x1xf32>
    %reduce_max3A_87 = vector.extract %reduce_max3A_86[0, 0, 0] : f32 from vector<1x1x1xf32>
    %broadcast_in_dim3A_88 = vector.broadcast %reduce_max3A_87 : f32 to vector<40x1xf32>
    %select_n3A_89 = arith.select %eq3A_82, %broadcast_in_dim3A_88, %broadcast_in_dim3A : vector<40x1xi1>, vector<40x1xf32>
    %eq3A_90 = arith.constant 0 : i32
    %eq3A_91 = vector.broadcast %eq3A_90 : i32 to vector<1x8xi32>
    %eq3A_92 = arith.cmpi eq, %iota3A_14, %eq3A_91 : vector<1x8xi32>
    %broadcast_in_dim3A_93 = vector.broadcast %reduce_max3A_30 : f32 to vector<1x8xf32>
    %select_n3A_94 = arith.select %eq3A_92, %broadcast_in_dim3A_93, %broadcast_in_dim3A_23 : vector<1x8xi1>, vector<1x8xf32>
    %mul3A_95 = arith.constant 2 : i32
    %mul3A_96 = arith.muli %select_n3A_67, %mul3A_95 : i32
    %add3A_97 = arith.constant 0 : i32
    %add3A_98 = arith.addi %mul3A_96, %add3A_97 : i32
    %eq3A_99 = vector.broadcast %add3A_98 : i32 to vector<1x10xi32>
    %eq3A_100 = arith.cmpi eq, %iota3A_16, %eq3A_99 : vector<1x10xi32>
    %jit3A_101 = arith.constant 0 : i32
    %broadcast_in_dim3A_102 = vector.broadcast %jit3A_101 : i32 to vector<1x10xi32>
    %select_n3A_103 = arith.select %eq3A_100, %get3A_21, %broadcast_in_dim3A_102 : vector<1x10xi1>, vector<1x10xi32>
    %reduce_sum3A = vector.shape_cast %select_n3A_103 : vector<1x10xi32> to vector<1x1x10xi32>
    %reduce_sum3A_104 = arith.constant dense<0> : vector<1xi32>
    %reduce_sum3A_105 = vector.multi_reduction <add>, %reduce_sum3A, %reduce_sum3A_104 [1, 2] : vector<1x1x10xi32> to vector<1xi32>
    %reduce_sum3A_106 = vector.shape_cast %reduce_sum3A_105 : vector<1xi32> to vector<1x1x1xi32>
    %reduce_sum3A_107 = vector.extract %reduce_sum3A_106[0, 0, 0] : i32 from vector<1x1x1xi32>
    %eq3A_108 = arith.constant 0 : i32
    %eq3A_109 = vector.broadcast %eq3A_108 : i32 to vector<1x16xi32>
    %eq3A_110 = arith.cmpi eq, %iota3A_15, %eq3A_109 : vector<1x16xi32>
    %broadcast_in_dim3A_111 = vector.broadcast %reduce_sum3A_107 : i32 to vector<1x16xi32>
    %select_n3A_112 = arith.select %eq3A_110, %broadcast_in_dim3A_111, %broadcast_in_dim3A_25 : vector<1x16xi1>, vector<1x16xi32>
    %mul3A_113 = arith.constant 2 : i32
    %mul3A_114 = arith.muli %select_n3A_67, %mul3A_113 : i32
    %add3A_115 = arith.constant 1 : i32
    %add3A_116 = arith.addi %mul3A_114, %add3A_115 : i32
    %eq3A_117 = vector.broadcast %add3A_116 : i32 to vector<1x10xi32>
    %eq3A_118 = arith.cmpi eq, %iota3A_16, %eq3A_117 : vector<1x10xi32>
    %jit3A_119 = arith.constant 0 : i32
    %broadcast_in_dim3A_120 = vector.broadcast %jit3A_119 : i32 to vector<1x10xi32>
    %select_n3A_121 = arith.select %eq3A_118, %get3A_21, %broadcast_in_dim3A_120 : vector<1x10xi1>, vector<1x10xi32>
    %reduce_sum3A_122 = vector.shape_cast %select_n3A_121 : vector<1x10xi32> to vector<1x1x10xi32>
    %reduce_sum3A_123 = arith.constant dense<0> : vector<1xi32>
    %reduce_sum3A_124 = vector.multi_reduction <add>, %reduce_sum3A_122, %reduce_sum3A_123 [1, 2] : vector<1x1x10xi32> to vector<1xi32>
    %reduce_sum3A_125 = vector.shape_cast %reduce_sum3A_124 : vector<1xi32> to vector<1x1x1xi32>
    %reduce_sum3A_126 = vector.extract %reduce_sum3A_125[0, 0, 0] : i32 from vector<1x1x1xi32>
    %eq3A_127 = arith.constant 1 : i32
    %eq3A_128 = vector.broadcast %eq3A_127 : i32 to vector<1x16xi32>
    %eq3A_129 = arith.cmpi eq, %iota3A_15, %eq3A_128 : vector<1x16xi32>
    %broadcast_in_dim3A_130 = vector.broadcast %reduce_sum3A_126 : i32 to vector<1x16xi32>
    %select_n3A_131 = arith.select %eq3A_129, %broadcast_in_dim3A_130, %select_n3A_112 : vector<1x16xi1>, vector<1x16xi32>
    %eq3A_132 = arith.constant 2 : i32
    %eq3A_133 = vector.broadcast %eq3A_132 : i32 to vector<1x16xi32>
    %eq3A_134 = arith.cmpi eq, %iota3A_15, %eq3A_133 : vector<1x16xi32>
    %broadcast_in_dim3A_135 = vector.broadcast %add3A_72 : i32 to vector<1x16xi32>
    %select_n3A_136 = arith.select %eq3A_134, %broadcast_in_dim3A_135, %select_n3A_131 : vector<1x16xi1>, vector<1x16xi32>
    %mul3A_137 = arith.constant 2 : i32
    %mul3A_138 = arith.muli %select_n3A_67, %mul3A_137 : i32
    %mul3A_139 = arith.constant 8 : i32
    %mul3A_140 = arith.muli %mul3A_138, %mul3A_139 : i32
    %get3A_141 = arith.constant 0 : index
    %get3A_142 = arith.index_cast %mul3A_140 : i32 to index
    %get3A_143 = arith.constant 0 : index
    %get3A_144 = vector.load %arg4[%get3A_141, %get3A_142, %get3A_143] : memref<1x80x12500xf32, #tpu.memory_space<vmem>>, vector<1x16x12500xf32>
    %get3A_145 = vector.shape_cast %get3A_144 : vector<1x16x12500xf32> to vector<16x12500xf32>
    %swap3A_146 = arith.constant 0 : index
    %swap3A_147 = arith.constant 0 : index
    %swap3A_148 = arith.constant 0 : index
    %swap3A_149 = vector.load %arg8[%swap3A_146, %swap3A_147, %swap3A_148] : memref<1x120x12500xf32, #tpu.memory_space<vmem>>, vector<1x16x12500xf32>
    %swap3A_150 = vector.shape_cast %swap3A_149 : vector<1x16x12500xf32> to vector<16x12500xf32>
    %swap3A_151 = vector.shape_cast %get3A_145 : vector<16x12500xf32> to vector<1x16x12500xf32>
    tpu.vector_store %arg8[%swap3A_146, %swap3A_147, %swap3A_148], %swap3A_151 {strides = array<i32>} : memref<1x120x12500xf32, #tpu.memory_space<vmem>>, vector<1x16x12500xf32>,
    %mul3A_152 = arith.constant 8 : i32
    %mul3A_153 = arith.muli %select_n3A_67, %mul3A_152 : i32
    %get3A_154 = arith.constant 0 : index
    %get3A_155 = arith.index_cast %mul3A_153 : i32 to index
    %get3A_156 = arith.constant 0 : index
    %get3A_157 = vector.load %arg1[%get3A_154, %get3A_155, %get3A_156] : memref<1x40x12500xf32, #tpu.memory_space<vmem>>, vector<1x8x12500xf32>
    %get3A_158 = vector.shape_cast %get3A_157 : vector<1x8x12500xf32> to vector<8x12500xf32>
    %swap3A_159 = arith.constant 0 : index
    %swap3A_160 = arith.constant 16 : index
    %swap3A_161 = arith.constant 0 : index
    %swap3A_162 = vector.load %arg8[%swap3A_159, %swap3A_160, %swap3A_161] : memref<1x120x12500xf32, #tpu.memory_space<vmem>>, vector<1x8x12500xf32>
    %swap3A_163 = vector.shape_cast %swap3A_162 : vector<1x8x12500xf32> to vector<8x12500xf32>
    %swap3A_164 = vector.shape_cast %get3A_158 : vector<8x12500xf32> to vector<1x8x12500xf32>
    tpu.vector_store %arg8[%swap3A_159, %swap3A_160, %swap3A_161], %swap3A_164 {strides = array<i32>} : memref<1x120x12500xf32, #tpu.memory_space<vmem>>, vector<1x8x12500xf32>,
    %get3A_165 = arith.constant 0 : index
    %get3A_166 = arith.constant 0 : index
    %get3A_167 = arith.index_cast %select_n3A_67 : i32 to index
    %get3A_168 = arith.constant 0 : index
    %get3A_169 = vector.load %arg5[%get3A_165, %get3A_166, %get3A_167, %get3A_168] : memref<2x1x5x1024xf32, #tpu.memory_space<vmem>>, vector<2x1x1x1024xf32>
    %get3A_170 = vector.shape_cast %get3A_169 : vector<2x1x1x1024xf32> to vector<2x1x1024xf32>
    %swap3A_171 = arith.constant 0 : index
    %swap3A_172 = arith.constant 0 : index
    %swap3A_173 = arith.constant 0 : index
    %swap3A_174 = arith.constant 0 : index
    %swap3A_175 = vector.load %arg9[%swap3A_171, %swap3A_172, %swap3A_173, %swap3A_174] : memref<2x1x5x1024xf32, #tpu.memory_space<vmem>>, vector<2x1x1x1024xf32>
    %swap3A_176 = vector.shape_cast %swap3A_175 : vector<2x1x1x1024xf32> to vector<2x1x1024xf32>
    %swap3A_177 = vector.shape_cast %get3A_170 : vector<2x1x1024xf32> to vector<2x1x1x1024xf32>
    tpu.vector_store %arg9[%swap3A_171, %swap3A_172, %swap3A_173, %swap3A_174], %swap3A_177 {strides = array<i32>} : memref<2x1x5x1024xf32, #tpu.memory_space<vmem>>, vector<2x1x1x1024xf32>,
    %reduce_max3A_178 = vector.shape_cast %select_n3A_89 : vector<40x1xf32> to vector<1x40x1xf32>
    %reduce_max3A_179 = arith.constant dense<0xFF800000> : vector<1xf32>
    %reduce_max3A_180 = vector.multi_reduction <maximumf>, %reduce_max3A_178, %reduce_max3A_179 [1, 2] : vector<1x40x1xf32> to vector<1xf32>
    %reduce_max3A_181 = vector.shape_cast %reduce_max3A_180 : vector<1xf32> to vector<1x1x1xf32>
    %reduce_max3A_182 = vector.extract %reduce_max3A_181[0, 0, 0] : f32 from vector<1x1x1xf32>
    %eq3A_183 = vector.broadcast %reduce_max3A_182 : f32 to vector<40x1xf32>
    %eq3A_184 = arith.cmpf oeq, %select_n3A_89, %eq3A_183 : vector<40x1xf32>
    %jit3A_185 = arith.constant 2147483647 : i32
    %broadcast_in_dim3A_186 = vector.broadcast %jit3A_185 : i32 to vector<40x1xi32>
    %select_n3A_187 = arith.select %eq3A_184, %iota3A, %broadcast_in_dim3A_186 : vector<40x1xi1>, vector<40x1xi32>
    %reduce_min3A_188 = vector.shape_cast %select_n3A_187 : vector<40x1xi32> to vector<1x40x1xi32>
    %reduce_min3A_189 = arith.constant dense<2147483647> : vector<1xi32>
    %reduce_min3A_190 = vector.multi_reduction <minsi>, %reduce_min3A_188, %reduce_min3A_189 [1, 2] : vector<1x40x1xi32> to vector<1xi32>
    %reduce_min3A_191 = vector.shape_cast %reduce_min3A_190 : vector<1xi32> to vector<1x1x1xi32>
    %reduce_min3A_192 = vector.extract %reduce_min3A_191[0, 0, 0] : i32 from vector<1x1x1xi32>
    %get3A_193 = arith.index_cast %reduce_min3A_192 : i32 to index
    %get3A_194 = arith.constant 0 : index
    %get3A_195 = vector.load %arg10[%get3A_193, %get3A_194] : memref<40x12500xf32, #tpu.memory_space<vmem>>, vector<1x12500xf32>
    %eq3A_196 = vector.broadcast %reduce_max3A_182 : f32 to vector<1x12500xf32>
    %eq3A_197 = arith.cmpf oeq, %get3A_195, %eq3A_196 : vector<1x12500xf32>
    %jit3A_198 = arith.constant 2147483647 : i32
    %broadcast_in_dim3A_199 = vector.broadcast %jit3A_198 : i32 to vector<1x12500xi32>
    %select_n3A_200 = arith.select %eq3A_197, %iota3A_13, %broadcast_in_dim3A_199 : vector<1x12500xi1>, vector<1x12500xi32>
    %reduce_min3A_201 = vector.shape_cast %select_n3A_200 : vector<1x12500xi32> to vector<1x1x12500xi32>
    %reduce_min3A_202 = arith.constant dense<2147483647> : vector<1xi32>
    %reduce_min3A_203 = vector.multi_reduction <minsi>, %reduce_min3A_201, %reduce_min3A_202 [1, 2] : vector<1x1x12500xi32> to vector<1xi32>
    %reduce_min3A_204 = vector.shape_cast %reduce_min3A_203 : vector<1xi32> to vector<1x1x1xi32>
    %reduce_min3A_205 = vector.extract %reduce_min3A_204[0, 0, 0] : i32 from vector<1x1x1xi32>
    %jit3A_206 = arith.constant 8 : i32
    %div3A_207 = arith.divsi %reduce_min3A_192, %jit3A_206 : i32
    %sign3A_208 = arith.constant 0 : i32
    %sign3A_209 = arith.cmpi sgt, %reduce_min3A_192, %sign3A_208 : i32
    %sign3A_210 = arith.extui %sign3A_209 : i1 to i32
    %sign3A_211 = arith.constant 0 : i32
    %sign3A_212 = arith.cmpi slt, %reduce_min3A_192, %sign3A_211 : i32
    %sign3A_213 = arith.extui %sign3A_212 : i1 to i32
    %sign3A_214 = arith.subi %sign3A_210, %sign3A_213 : i32
    %sign3A_215 = arith.constant 0 : i32
    %sign3A_216 = arith.cmpi sgt, %jit3A_206, %sign3A_215 : i32
    %sign3A_217 = arith.extui %sign3A_216 : i1 to i32
    %sign3A_218 = arith.constant 0 : i32
    %sign3A_219 = arith.cmpi slt, %jit3A_206, %sign3A_218 : i32
    %sign3A_220 = arith.extui %sign3A_219 : i1 to i32
    %sign3A_221 = arith.subi %sign3A_217, %sign3A_220 : i32
    %ne3A_222 = arith.cmpi ne, %sign3A_214, %sign3A_221 : i32
    %rem3A_223 = arith.remsi %reduce_min3A_192, %jit3A_206 : i32
    %ne3A_224 = arith.constant 0 : i32
    %ne3A_225 = arith.cmpi ne, %rem3A_223, %ne3A_224 : i32
    %and3A_226 = arith.andi %ne3A_222, %ne3A_225 : i1
    %sub3A_227 = arith.constant 1 : i32
    %sub3A_228 = arith.subi %div3A_207, %sub3A_227 : i32
    %select_n3A_229 = arith.select %and3A_226, %sub3A_228, %div3A_207 : i32
    %mul3A_230 = arith.constant 8 : i32
    %mul3A_231 = arith.muli %select_n3A_229, %mul3A_230 : i32
    %sub3A_232 = arith.subi %reduce_min3A_192, %mul3A_231 : i32
    %mul3A_233 = arith.constant 12500 : i32
    %mul3A_234 = arith.muli %sub3A_232, %mul3A_233 : i32
    %add3A_235 = arith.addi %mul3A_234, %reduce_min3A_205 : i32
    %eq3A_236 = vector.broadcast %reduce_min3A_205 : i32 to vector<1x12500xi32>
    %eq3A_237 = arith.cmpi eq, %iota3A_13, %eq3A_236 : vector<1x12500xi32>
    %jit3A_238 = arith.constant 0xFF800000 : f32
    %broadcast_in_dim3A_239 = vector.broadcast %jit3A_238 : f32 to vector<1x12500xf32>
    %select_n3A_240 = arith.select %eq3A_237, %broadcast_in_dim3A_239, %get3A_195 : vector<1x12500xi1>, vector<1x12500xf32>
    %swap3A_241 = arith.index_cast %reduce_min3A_192 : i32 to index
    %swap3A_242 = arith.constant 0 : index
    %swap3A_243 = vector.load %arg10[%swap3A_241, %swap3A_242] : memref<40x12500xf32, #tpu.memory_space<vmem>>, vector<1x12500xf32>
    tpu.vector_store %arg10[%swap3A_241, %swap3A_242], %select_n3A_240 {strides = array<i32>} : memref<40x12500xf32, #tpu.memory_space<vmem>>, vector<1x12500xf32>,
    %eq3A_244 = vector.broadcast %reduce_min3A_192 : i32 to vector<40x1xi32>
    %eq3A_245 = arith.cmpi eq, %iota3A, %eq3A_244 : vector<40x1xi32>
    %reduce_max3A_246 = vector.shape_cast %select_n3A_240 : vector<1x12500xf32> to vector<1x1x12500xf32>
    %reduce_max3A_247 = arith.constant dense<0xFF800000> : vector<1xf32>
    %reduce_max3A_248 = vector.multi_reduction <maximumf>, %reduce_max3A_246, %reduce_max3A_247 [1, 2] : vector<1x1x12500xf32> to vector<1xf32>
    %reduce_max3A_249 = vector.shape_cast %reduce_max3A_248 : vector<1xf32> to vector<1x1x1xf32>
    %reduce_max3A_250 = vector.extract %reduce_max3A_249[0, 0, 0] : f32 from vector<1x1x1xf32>
    %broadcast_in_dim3A_251 = vector.broadcast %reduce_max3A_250 : f32 to vector<40x1xf32>
    %select_n3A_252 = arith.select %eq3A_245, %broadcast_in_dim3A_251, %select_n3A_89 : vector<40x1xi1>, vector<40x1xf32>
    %eq3A_253 = arith.constant 1 : i32
    %eq3A_254 = vector.broadcast %eq3A_253 : i32 to vector<1x8xi32>
    %eq3A_255 = arith.cmpi eq, %iota3A_14, %eq3A_254 : vector<1x8xi32>
    %broadcast_in_dim3A_256 = vector.broadcast %reduce_max3A_182 : f32 to vector<1x8xf32>
    %select_n3A_257 = arith.select %eq3A_255, %broadcast_in_dim3A_256, %select_n3A_94 : vector<1x8xi1>, vector<1x8xf32>
    %mul3A_258 = arith.constant 2 : i32
    %mul3A_259 = arith.muli %select_n3A_229, %mul3A_258 : i32
    %add3A_260 = arith.constant 0 : i32
    %add3A_261 = arith.addi %mul3A_259, %add3A_260 : i32
    %eq3A_262 = vector.broadcast %add3A_261 : i32 to vector<1x10xi32>
    %eq3A_263 = arith.cmpi eq, %iota3A_16, %eq3A_262 : vector<1x10xi32>
    %jit3A_264 = arith.constant 0 : i32
    %broadcast_in_dim3A_265 = vector.broadcast %jit3A_264 : i32 to vector<1x10xi32>
    %select_n3A_266 = arith.select %eq3A_263, %get3A_21, %broadcast_in_dim3A_265 : vector<1x10xi1>, vector<1x10xi32>
    %reduce_sum3A_267 = vector.shape_cast %select_n3A_266 : vector<1x10xi32> to vector<1x1x10xi32>
    %reduce_sum3A_268 = arith.constant dense<0> : vector<1xi32>
    %reduce_sum3A_269 = vector.multi_reduction <add>, %reduce_sum3A_267, %reduce_sum3A_268 [1, 2] : vector<1x1x10xi32> to vector<1xi32>
    %reduce_sum3A_270 = vector.shape_cast %reduce_sum3A_269 : vector<1xi32> to vector<1x1x1xi32>
    %reduce_sum3A_271 = vector.extract %reduce_sum3A_270[0, 0, 0] : i32 from vector<1x1x1xi32>
    %eq3A_272 = arith.constant 3 : i32
    %eq3A_273 = vector.broadcast %eq3A_272 : i32 to vector<1x16xi32>
    %eq3A_274 = arith.cmpi eq, %iota3A_15, %eq3A_273 : vector<1x16xi32>
    %broadcast_in_dim3A_275 = vector.broadcast %reduce_sum3A_271 : i32 to vector<1x16xi32>
    %select_n3A_276 = arith.select %eq3A_274, %broadcast_in_dim3A_275, %select_n3A_136 : vector<1x16xi1>, vector<1x16xi32>
    %mul3A_277 = arith.constant 2 : i32
    %mul3A_278 = arith.muli %select_n3A_229, %mul3A_277 : i32
    %add3A_279 = arith.constant 1 : i32
    %add3A_280 = arith.addi %mul3A_278, %add3A_279 : i32
    %eq3A_281 = vector.broadcast %add3A_280 : i32 to vector<1x10xi32>
    %eq3A_282 = arith.cmpi eq, %iota3A_16, %eq3A_281 : vector<1x10xi32>
    %jit3A_283 = arith.constant 0 : i32
    %broadcast_in_dim3A_284 = vector.broadcast %jit3A_283 : i32 to vector<1x10xi32>
    %select_n3A_285 = arith.select %eq3A_282, %get3A_21, %broadcast_in_dim3A_284 : vector<1x10xi1>, vector<1x10xi32>
    %reduce_sum3A_286 = vector.shape_cast %select_n3A_285 : vector<1x10xi32> to vector<1x1x10xi32>
    %reduce_sum3A_287 = arith.constant dense<0> : vector<1xi32>
    %reduce_sum3A_288 = vector.multi_reduction <add>, %reduce_sum3A_286, %reduce_sum3A_287 [1, 2] : vector<1x1x10xi32> to vector<1xi32>
    %reduce_sum3A_289 = vector.shape_cast %reduce_sum3A_288 : vector<1xi32> to vector<1x1x1xi32>
    %reduce_sum3A_290 = vector.extract %reduce_sum3A_289[0, 0, 0] : i32 from vector<1x1x1xi32>
    %eq3A_291 = arith.constant 4 : i32
    %eq3A_292 = vector.broadcast %eq3A_291 : i32 to vector<1x16xi32>
    %eq3A_293 = arith.cmpi eq, %iota3A_15, %eq3A_292 : vector<1x16xi32>
    %broadcast_in_dim3A_294 = vector.broadcast %reduce_sum3A_290 : i32 to vector<1x16xi32>
    %select_n3A_295 = arith.select %eq3A_293, %broadcast_in_dim3A_294, %select_n3A_276 : vector<1x16xi1>, vector<1x16xi32>
    %eq3A_296 = arith.constant 5 : i32
    %eq3A_297 = vector.broadcast %eq3A_296 : i32 to vector<1x16xi32>
    %eq3A_298 = arith.cmpi eq, %iota3A_15, %eq3A_297 : vector<1x16xi32>
    %broadcast_in_dim3A_299 = vector.broadcast %add3A_235 : i32 to vector<1x16xi32>
    %select_n3A_300 = arith.select %eq3A_298, %broadcast_in_dim3A_299, %select_n3A_295 : vector<1x16xi1>, vector<1x16xi32>
    %mul3A_301 = arith.constant 2 : i32
    %mul3A_302 = arith.muli %select_n3A_229, %mul3A_301 : i32
    %mul3A_303 = arith.constant 8 : i32
    %mul3A_304 = arith.muli %mul3A_302, %mul3A_303 : i32
    %get3A_305 = arith.constant 0 : index
    %get3A_306 = arith.index_cast %mul3A_304 : i32 to index
    %get3A_307 = arith.constant 0 : index
    %get3A_308 = vector.load %arg4[%get3A_305, %get3A_306, %get3A_307] : memref<1x80x12500xf32, #tpu.memory_space<vmem>>, vector<1x16x12500xf32>
    %get3A_309 = vector.shape_cast %get3A_308 : vector<1x16x12500xf32> to vector<16x12500xf32>
    %swap3A_310 = arith.constant 0 : index
    %swap3A_311 = arith.constant 24 : index
    %swap3A_312 = arith.constant 0 : index
    %swap3A_313 = vector.load %arg8[%swap3A_310, %swap3A_311, %swap3A_312] : memref<1x120x12500xf32, #tpu.memory_space<vmem>>, vector<1x16x12500xf32>
    %swap3A_314 = vector.shape_cast %swap3A_313 : vector<1x16x12500xf32> to vector<16x12500xf32>
    %swap3A_315 = vector.shape_cast %get3A_309 : vector<16x12500xf32> to vector<1x16x12500xf32>
    tpu.vector_store %arg8[%swap3A_310, %swap3A_311, %swap3A_312], %swap3A_315 {strides = array<i32>} : memref<1x120x12500xf32, #tpu.memory_space<vmem>>, vector<1x16x12500xf32>,
    %mul3A_316 = arith.constant 8 : i32
    %mul3A_317 = arith.muli %select_n3A_229, %mul3A_316 : i32
    %get3A_318 = arith.constant 0 : index
    %get3A_319 = arith.index_cast %mul3A_317 : i32 to index
    %get3A_320 = arith.constant 0 : index
    %get3A_321 = vector.load %arg1[%get3A_318, %get3A_319, %get3A_320] : memref<1x40x12500xf32, #tpu.memory_space<vmem>>, vector<1x8x12500xf32>
    %get3A_322 = vector.shape_cast %get3A_321 : vector<1x8x12500xf32> to vector<8x12500xf32>
    %swap3A_323 = arith.constant 0 : index
    %swap3A_324 = arith.constant 40 : index
    %swap3A_325 = arith.constant 0 : index
    %swap3A_326 = vector.load %arg8[%swap3A_323, %swap3A_324, %swap3A_325] : memref<1x120x12500xf32, #tpu.memory_space<vmem>>, vector<1x8x12500xf32>
    %swap3A_327 = vector.shape_cast %swap3A_326 : vector<1x8x12500xf32> to vector<8x12500xf32>
    %swap3A_328 = vector.shape_cast %get3A_322 : vector<8x12500xf32> to vector<1x8x12500xf32>
    tpu.vector_store %arg8[%swap3A_323, %swap3A_324, %swap3A_325], %swap3A_328 {strides = array<i32>} : memref<1x120x12500xf32, #tpu.memory_space<vmem>>, vector<1x8x12500xf32>,
    %get3A_329 = arith.constant 0 : index
    %get3A_330 = arith.constant 0 : index
    %get3A_331 = arith.index_cast %select_n3A_229 : i32 to index
    %get3A_332 = arith.constant 0 : index
    %get3A_333 = vector.load %arg5[%get3A_329, %get3A_330, %get3A_331, %get3A_332] : memref<2x1x5x1024xf32, #tpu.memory_space<vmem>>, vector<2x1x1x1024xf32>
    %get3A_334 = vector.shape_cast %get3A_333 : vector<2x1x1x1024xf32> to vector<2x1x1024xf32>
    %swap3A_335 = arith.constant 0 : index
    %swap3A_336 = arith.constant 0 : index
    %swap3A_337 = arith.constant 1 : index
    %swap3A_338 = arith.constant 0 : index
    %swap3A_339 = vector.load %arg9[%swap3A_335, %swap3A_336, %swap3A_337, %swap3A_338] : memref<2x1x5x1024xf32, #tpu.memory_space<vmem>>, vector<2x1x1x1024xf32>
    %swap3A_340 = vector.shape_cast %swap3A_339 : vector<2x1x1x1024xf32> to vector<2x1x1024xf32>
    %swap3A_341 = vector.shape_cast %get3A_334 : vector<2x1x1024xf32> to vector<2x1x1x1024xf32>
    tpu.vector_store %arg9[%swap3A_335, %swap3A_336, %swap3A_337, %swap3A_338], %swap3A_341 {strides = array<i32>} : memref<2x1x5x1024xf32, #tpu.memory_space<vmem>>, vector<2x1x1x1024xf32>,
    %reduce_max3A_342 = vector.shape_cast %select_n3A_252 : vector<40x1xf32> to vector<1x40x1xf32>
    %reduce_max3A_343 = arith.constant dense<0xFF800000> : vector<1xf32>
    %reduce_max3A_344 = vector.multi_reduction <maximumf>, %reduce_max3A_342, %reduce_max3A_343 [1, 2] : vector<1x40x1xf32> to vector<1xf32>
    %reduce_max3A_345 = vector.shape_cast %reduce_max3A_344 : vector<1xf32> to vector<1x1x1xf32>
    %reduce_max3A_346 = vector.extract %reduce_max3A_345[0, 0, 0] : f32 from vector<1x1x1xf32>
    %eq3A_347 = vector.broadcast %reduce_max3A_346 : f32 to vector<40x1xf32>
    %eq3A_348 = arith.cmpf oeq, %select_n3A_252, %eq3A_347 : vector<40x1xf32>
    %jit3A_349 = arith.constant 2147483647 : i32
    %broadcast_in_dim3A_350 = vector.broadcast %jit3A_349 : i32 to vector<40x1xi32>
    %select_n3A_351 = arith.select %eq3A_348, %iota3A, %broadcast_in_dim3A_350 : vector<40x1xi1>, vector<40x1xi32>
    %reduce_min3A_352 = vector.shape_cast %select_n3A_351 : vector<40x1xi32> to vector<1x40x1xi32>
    %reduce_min3A_353 = arith.constant dense<2147483647> : vector<1xi32>
    %reduce_min3A_354 = vector.multi_reduction <minsi>, %reduce_min3A_352, %reduce_min3A_353 [1, 2] : vector<1x40x1xi32> to vector<1xi32>
    %reduce_min3A_355 = vector.shape_cast %reduce_min3A_354 : vector<1xi32> to vector<1x1x1xi32>
    %reduce_min3A_356 = vector.extract %reduce_min3A_355[0, 0, 0] : i32 from vector<1x1x1xi32>
    %get3A_357 = arith.index_cast %reduce_min3A_356 : i32 to index
    %get3A_358 = arith.constant 0 : index
    %get3A_359 = vector.load %arg10[%get3A_357, %get3A_358] : memref<40x12500xf32, #tpu.memory_space<vmem>>, vector<1x12500xf32>
    %eq3A_360 = vector.broadcast %reduce_max3A_346 : f32 to vector<1x12500xf32>
    %eq3A_361 = arith.cmpf oeq, %get3A_359, %eq3A_360 : vector<1x12500xf32>
    %jit3A_362 = arith.constant 2147483647 : i32
    %broadcast_in_dim3A_363 = vector.broadcast %jit3A_362 : i32 to vector<1x12500xi32>
    %select_n3A_364 = arith.select %eq3A_361, %iota3A_13, %broadcast_in_dim3A_363 : vector<1x12500xi1>, vector<1x12500xi32>
    %reduce_min3A_365 = vector.shape_cast %select_n3A_364 : vector<1x12500xi32> to vector<1x1x12500xi32>
    %reduce_min3A_366 = arith.constant dense<2147483647> : vector<1xi32>
    %reduce_min3A_367 = vector.multi_reduction <minsi>, %reduce_min3A_365, %reduce_min3A_366 [1, 2] : vector<1x1x12500xi32> to vector<1xi32>
    %reduce_min3A_368 = vector.shape_cast %reduce_min3A_367 : vector<1xi32> to vector<1x1x1xi32>
    %reduce_min3A_369 = vector.extract %reduce_min3A_368[0, 0, 0] : i32 from vector<1x1x1xi32>
    %jit3A_370 = arith.constant 8 : i32
    %div3A_371 = arith.divsi %reduce_min3A_356, %jit3A_370 : i32
    %sign3A_372 = arith.constant 0 : i32
    %sign3A_373 = arith.cmpi sgt, %reduce_min3A_356, %sign3A_372 : i32
    %sign3A_374 = arith.extui %sign3A_373 : i1 to i32
    %sign3A_375 = arith.constant 0 : i32
    %sign3A_376 = arith.cmpi slt, %reduce_min3A_356, %sign3A_375 : i32
    %sign3A_377 = arith.extui %sign3A_376 : i1 to i32
    %sign3A_378 = arith.subi %sign3A_374, %sign3A_377 : i32
    %sign3A_379 = arith.constant 0 : i32
    %sign3A_380 = arith.cmpi sgt, %jit3A_370, %sign3A_379 : i32
    %sign3A_381 = arith.extui %sign3A_380 : i1 to i32
    %sign3A_382 = arith.constant 0 : i32
    %sign3A_383 = arith.cmpi slt, %jit3A_370, %sign3A_382 : i32
    %sign3A_384 = arith.extui %sign3A_383 : i1 to i32
    %sign3A_385 = arith.subi %sign3A_381, %sign3A_384 : i32
    %ne3A_386 = arith.cmpi ne, %sign3A_378, %sign3A_385 : i32
    %rem3A_387 = arith.remsi %reduce_min3A_356, %jit3A_370 : i32
    %ne3A_388 = arith.constant 0 : i32
    %ne3A_389 = arith.cmpi ne, %rem3A_387, %ne3A_388 : i32
    %and3A_390 = arith.andi %ne3A_386, %ne3A_389 : i1
    %sub3A_391 = arith.constant 1 : i32
    %sub3A_392 = arith.subi %div3A_371, %sub3A_391 : i32
    %select_n3A_393 = arith.select %and3A_390, %sub3A_392, %div3A_371 : i32
    %mul3A_394 = arith.constant 8 : i32
    %mul3A_395 = arith.muli %select_n3A_393, %mul3A_394 : i32
    %sub3A_396 = arith.subi %reduce_min3A_356, %mul3A_395 : i32
    %mul3A_397 = arith.constant 12500 : i32
    %mul3A_398 = arith.muli %sub3A_396, %mul3A_397 : i32
    %add3A_399 = arith.addi %mul3A_398, %reduce_min3A_369 : i32
    %eq3A_400 = vector.broadcast %reduce_min3A_369 : i32 to vector<1x12500xi32>
    %eq3A_401 = arith.cmpi eq, %iota3A_13, %eq3A_400 : vector<1x12500xi32>
    %jit3A_402 = arith.constant 0xFF800000 : f32
    %broadcast_in_dim3A_403 = vector.broadcast %jit3A_402 : f32 to vector<1x12500xf32>
    %select_n3A_404 = arith.select %eq3A_401, %broadcast_in_dim3A_403, %get3A_359 : vector<1x12500xi1>, vector<1x12500xf32>
    %swap3A_405 = arith.index_cast %reduce_min3A_356 : i32 to index
    %swap3A_406 = arith.constant 0 : index
    %swap3A_407 = vector.load %arg10[%swap3A_405, %swap3A_406] : memref<40x12500xf32, #tpu.memory_space<vmem>>, vector<1x12500xf32>
    tpu.vector_store %arg10[%swap3A_405, %swap3A_406], %select_n3A_404 {strides = array<i32>} : memref<40x12500xf32, #tpu.memory_space<vmem>>, vector<1x12500xf32>,
    %eq3A_408 = vector.broadcast %reduce_min3A_356 : i32 to vector<40x1xi32>
    %eq3A_409 = arith.cmpi eq, %iota3A, %eq3A_408 : vector<40x1xi32>
    %reduce_max3A_410 = vector.shape_cast %select_n3A_404 : vector<1x12500xf32> to vector<1x1x12500xf32>
    %reduce_max3A_411 = arith.constant dense<0xFF800000> : vector<1xf32>
    %reduce_max3A_412 = vector.multi_reduction <maximumf>, %reduce_max3A_410, %reduce_max3A_411 [1, 2] : vector<1x1x12500xf32> to vector<1xf32>
    %reduce_max3A_413 = vector.shape_cast %reduce_max3A_412 : vector<1xf32> to vector<1x1x1xf32>
    %reduce_max3A_414 = vector.extract %reduce_max3A_413[0, 0, 0] : f32 from vector<1x1x1xf32>
    %broadcast_in_dim3A_415 = vector.broadcast %reduce_max3A_414 : f32 to vector<40x1xf32>
    %select_n3A_416 = arith.select %eq3A_409, %broadcast_in_dim3A_415, %select_n3A_252 : vector<40x1xi1>, vector<40x1xf32>
    %eq3A_417 = arith.constant 2 : i32
    %eq3A_418 = vector.broadcast %eq3A_417 : i32 to vector<1x8xi32>
    %eq3A_419 = arith.cmpi eq, %iota3A_14, %eq3A_418 : vector<1x8xi32>
    %broadcast_in_dim3A_420 = vector.broadcast %reduce_max3A_346 : f32 to vector<1x8xf32>
    %select_n3A_421 = arith.select %eq3A_419, %broadcast_in_dim3A_420, %select_n3A_257 : vector<1x8xi1>, vector<1x8xf32>
    %mul3A_422 = arith.constant 2 : i32
    %mul3A_423 = arith.muli %select_n3A_393, %mul3A_422 : i32
    %add3A_424 = arith.constant 0 : i32
    %add3A_425 = arith.addi %mul3A_423, %add3A_424 : i32
    %eq3A_426 = vector.broadcast %add3A_425 : i32 to vector<1x10xi32>
    %eq3A_427 = arith.cmpi eq, %iota3A_16, %eq3A_426 : vector<1x10xi32>
    %jit3A_428 = arith.constant 0 : i32
    %broadcast_in_dim3A_429 = vector.broadcast %jit3A_428 : i32 to vector<1x10xi32>
    %select_n3A_430 = arith.select %eq3A_427, %get3A_21, %broadcast_in_dim3A_429 : vector<1x10xi1>, vector<1x10xi32>
    %reduce_sum3A_431 = vector.shape_cast %select_n3A_430 : vector<1x10xi32> to vector<1x1x10xi32>
    %reduce_sum3A_432 = arith.constant dense<0> : vector<1xi32>
    %reduce_sum3A_433 = vector.multi_reduction <add>, %reduce_sum3A_431, %reduce_sum3A_432 [1, 2] : vector<1x1x10xi32> to vector<1xi32>
    %reduce_sum3A_434 = vector.shape_cast %reduce_sum3A_433 : vector<1xi32> to vector<1x1x1xi32>
    %reduce_sum3A_435 = vector.extract %reduce_sum3A_434[0, 0, 0] : i32 from vector<1x1x1xi32>
    %eq3A_436 = arith.constant 6 : i32
    %eq3A_437 = vector.broadcast %eq3A_436 : i32 to vector<1x16xi32>
    %eq3A_438 = arith.cmpi eq, %iota3A_15, %eq3A_437 : vector<1x16xi32>
    %broadcast_in_dim3A_439 = vector.broadcast %reduce_sum3A_435 : i32 to vector<1x16xi32>
    %select_n3A_440 = arith.select %eq3A_438, %broadcast_in_dim3A_439, %select_n3A_300 : vector<1x16xi1>, vector<1x16xi32>
    %mul3A_441 = arith.constant 2 : i32
    %mul3A_442 = arith.muli %select_n3A_393, %mul3A_441 : i32
    %add3A_443 = arith.constant 1 : i32
    %add3A_444 = arith.addi %mul3A_442, %add3A_443 : i32
    %eq3A_445 = vector.broadcast %add3A_444 : i32 to vector<1x10xi32>
    %eq3A_446 = arith.cmpi eq, %iota3A_16, %eq3A_445 : vector<1x10xi32>
    %jit3A_447 = arith.constant 0 : i32
    %broadcast_in_dim3A_448 = vector.broadcast %jit3A_447 : i32 to vector<1x10xi32>
    %select_n3A_449 = arith.select %eq3A_446, %get3A_21, %broadcast_in_dim3A_448 : vector<1x10xi1>, vector<1x10xi32>
    %reduce_sum3A_450 = vector.shape_cast %select_n3A_449 : vector<1x10xi32> to vector<1x1x10xi32>
    %reduce_sum3A_451 = arith.constant dense<0> : vector<1xi32>
    %reduce_sum3A_452 = vector.multi_reduction <add>, %reduce_sum3A_450, %reduce_sum3A_451 [1, 2] : vector<1x1x10xi32> to vector<1xi32>
    %reduce_sum3A_453 = vector.shape_cast %reduce_sum3A_452 : vector<1xi32> to vector<1x1x1xi32>
    %reduce_sum3A_454 = vector.extract %reduce_sum3A_453[0, 0, 0] : i32 from vector<1x1x1xi32>
    %eq3A_455 = arith.constant 7 : i32
    %eq3A_456 = vector.broadcast %eq3A_455 : i32 to vector<1x16xi32>
    %eq3A_457 = arith.cmpi eq, %iota3A_15, %eq3A_456 : vector<1x16xi32>
    %broadcast_in_dim3A_458 = vector.broadcast %reduce_sum3A_454 : i32 to vector<1x16xi32>
    %select_n3A_459 = arith.select %eq3A_457, %broadcast_in_dim3A_458, %select_n3A_440 : vector<1x16xi1>, vector<1x16xi32>
    %eq3A_460 = arith.constant 8 : i32
    %eq3A_461 = vector.broadcast %eq3A_460 : i32 to vector<1x16xi32>
    %eq3A_462 = arith.cmpi eq, %iota3A_15, %eq3A_461 : vector<1x16xi32>
    %broadcast_in_dim3A_463 = vector.broadcast %add3A_399 : i32 to vector<1x16xi32>
    %select_n3A_464 = arith.select %eq3A_462, %broadcast_in_dim3A_463, %select_n3A_459 : vector<1x16xi1>, vector<1x16xi32>
    %mul3A_465 = arith.constant 2 : i32
    %mul3A_466 = arith.muli %select_n3A_393, %mul3A_465 : i32
    %mul3A_467 = arith.constant 8 : i32
    %mul3A_468 = arith.muli %mul3A_466, %mul3A_467 : i32
    %get3A_469 = arith.constant 0 : index
    %get3A_470 = arith.index_cast %mul3A_468 : i32 to index
    %get3A_471 = arith.constant 0 : index
    %get3A_472 = vector.load %arg4[%get3A_469, %get3A_470, %get3A_471] : memref<1x80x12500xf32, #tpu.memory_space<vmem>>, vector<1x16x12500xf32>
    %get3A_473 = vector.shape_cast %get3A_472 : vector<1x16x12500xf32> to vector<16x12500xf32>
    %swap3A_474 = arith.constant 0 : index
    %swap3A_475 = arith.constant 48 : index
    %swap3A_476 = arith.constant 0 : index
    %swap3A_477 = vector.load %arg8[%swap3A_474, %swap3A_475, %swap3A_476] : memref<1x120x12500xf32, #tpu.memory_space<vmem>>, vector<1x16x12500xf32>
    %swap3A_478 = vector.shape_cast %swap3A_477 : vector<1x16x12500xf32> to vector<16x12500xf32>
    %swap3A_479 = vector.shape_cast %get3A_473 : vector<16x12500xf32> to vector<1x16x12500xf32>
    tpu.vector_store %arg8[%swap3A_474, %swap3A_475, %swap3A_476], %swap3A_479 {strides = array<i32>} : memref<1x120x12500xf32, #tpu.memory_space<vmem>>, vector<1x16x12500xf32>,
    %mul3A_480 = arith.constant 8 : i32
    %mul3A_481 = arith.muli %select_n3A_393, %mul3A_480 : i32
    %get3A_482 = arith.constant 0 : index
    %get3A_483 = arith.index_cast %mul3A_481 : i32 to index
    %get3A_484 = arith.constant 0 : index
    %get3A_485 = vector.load %arg1[%get3A_482, %get3A_483, %get3A_484] : memref<1x40x12500xf32, #tpu.memory_space<vmem>>, vector<1x8x12500xf32>
    %get3A_486 = vector.shape_cast %get3A_485 : vector<1x8x12500xf32> to vector<8x12500xf32>
    %swap3A_487 = arith.constant 0 : index
    %swap3A_488 = arith.constant 64 : index
    %swap3A_489 = arith.constant 0 : index
    %swap3A_490 = vector.load %arg8[%swap3A_487, %swap3A_488, %swap3A_489] : memref<1x120x12500xf32, #tpu.memory_space<vmem>>, vector<1x8x12500xf32>
    %swap3A_491 = vector.shape_cast %swap3A_490 : vector<1x8x12500xf32> to vector<8x12500xf32>
    %swap3A_492 = vector.shape_cast %get3A_486 : vector<8x12500xf32> to vector<1x8x12500xf32>
    tpu.vector_store %arg8[%swap3A_487, %swap3A_488, %swap3A_489], %swap3A_492 {strides = array<i32>} : memref<1x120x12500xf32, #tpu.memory_space<vmem>>, vector<1x8x12500xf32>,
    %get3A_493 = arith.constant 0 : index
    %get3A_494 = arith.constant 0 : index
    %get3A_495 = arith.index_cast %select_n3A_393 : i32 to index
    %get3A_496 = arith.constant 0 : index
    %get3A_497 = vector.load %arg5[%get3A_493, %get3A_494, %get3A_495, %get3A_496] : memref<2x1x5x1024xf32, #tpu.memory_space<vmem>>, vector<2x1x1x1024xf32>
    %get3A_498 = vector.shape_cast %get3A_497 : vector<2x1x1x1024xf32> to vector<2x1x1024xf32>
    %swap3A_499 = arith.constant 0 : index
    %swap3A_500 = arith.constant 0 : index
    %swap3A_501 = arith.constant 2 : index
    %swap3A_502 = arith.constant 0 : index
    %swap3A_503 = vector.load %arg9[%swap3A_499, %swap3A_500, %swap3A_501, %swap3A_502] : memref<2x1x5x1024xf32, #tpu.memory_space<vmem>>, vector<2x1x1x1024xf32>
    %swap3A_504 = vector.shape_cast %swap3A_503 : vector<2x1x1x1024xf32> to vector<2x1x1024xf32>
    %swap3A_505 = vector.shape_cast %get3A_498 : vector<2x1x1024xf32> to vector<2x1x1x1024xf32>
    tpu.vector_store %arg9[%swap3A_499, %swap3A_500, %swap3A_501, %swap3A_502], %swap3A_505 {strides = array<i32>} : memref<2x1x5x1024xf32, #tpu.memory_space<vmem>>, vector<2x1x1x1024xf32>,
    %reduce_max3A_506 = vector.shape_cast %select_n3A_416 : vector<40x1xf32> to vector<1x40x1xf32>
    %reduce_max3A_507 = arith.constant dense<0xFF800000> : vector<1xf32>
    %reduce_max3A_508 = vector.multi_reduction <maximumf>, %reduce_max3A_506, %reduce_max3A_507 [1, 2] : vector<1x40x1xf32> to vector<1xf32>
    %reduce_max3A_509 = vector.shape_cast %reduce_max3A_508 : vector<1xf32> to vector<1x1x1xf32>
    %reduce_max3A_510 = vector.extract %reduce_max3A_509[0, 0, 0] : f32 from vector<1x1x1xf32>
    %eq3A_511 = vector.broadcast %reduce_max3A_510 : f32 to vector<40x1xf32>
    %eq3A_512 = arith.cmpf oeq, %select_n3A_416, %eq3A_511 : vector<40x1xf32>
    %jit3A_513 = arith.constant 2147483647 : i32
    %broadcast_in_dim3A_514 = vector.broadcast %jit3A_513 : i32 to vector<40x1xi32>
    %select_n3A_515 = arith.select %eq3A_512, %iota3A, %broadcast_in_dim3A_514 : vector<40x1xi1>, vector<40x1xi32>
    %reduce_min3A_516 = vector.shape_cast %select_n3A_515 : vector<40x1xi32> to vector<1x40x1xi32>
    %reduce_min3A_517 = arith.constant dense<2147483647> : vector<1xi32>
    %reduce_min3A_518 = vector.multi_reduction <minsi>, %reduce_min3A_516, %reduce_min3A_517 [1, 2] : vector<1x40x1xi32> to vector<1xi32>
    %reduce_min3A_519 = vector.shape_cast %reduce_min3A_518 : vector<1xi32> to vector<1x1x1xi32>
    %reduce_min3A_520 = vector.extract %reduce_min3A_519[0, 0, 0] : i32 from vector<1x1x1xi32>
    %get3A_521 = arith.index_cast %reduce_min3A_520 : i32 to index
    %get3A_522 = arith.constant 0 : index
    %get3A_523 = vector.load %arg10[%get3A_521, %get3A_522] : memref<40x12500xf32, #tpu.memory_space<vmem>>, vector<1x12500xf32>
    %eq3A_524 = vector.broadcast %reduce_max3A_510 : f32 to vector<1x12500xf32>
    %eq3A_525 = arith.cmpf oeq, %get3A_523, %eq3A_524 : vector<1x12500xf32>
    %jit3A_526 = arith.constant 2147483647 : i32
    %broadcast_in_dim3A_527 = vector.broadcast %jit3A_526 : i32 to vector<1x12500xi32>
    %select_n3A_528 = arith.select %eq3A_525, %iota3A_13, %broadcast_in_dim3A_527 : vector<1x12500xi1>, vector<1x12500xi32>
    %reduce_min3A_529 = vector.shape_cast %select_n3A_528 : vector<1x12500xi32> to vector<1x1x12500xi32>
    %reduce_min3A_530 = arith.constant dense<2147483647> : vector<1xi32>
    %reduce_min3A_531 = vector.multi_reduction <minsi>, %reduce_min3A_529, %reduce_min3A_530 [1, 2] : vector<1x1x12500xi32> to vector<1xi32>
    %reduce_min3A_532 = vector.shape_cast %reduce_min3A_531 : vector<1xi32> to vector<1x1x1xi32>
    %reduce_min3A_533 = vector.extract %reduce_min3A_532[0, 0, 0] : i32 from vector<1x1x1xi32>
    %jit3A_534 = arith.constant 8 : i32
    %div3A_535 = arith.divsi %reduce_min3A_520, %jit3A_534 : i32
    %sign3A_536 = arith.constant 0 : i32
    %sign3A_537 = arith.cmpi sgt, %reduce_min3A_520, %sign3A_536 : i32
    %sign3A_538 = arith.extui %sign3A_537 : i1 to i32
    %sign3A_539 = arith.constant 0 : i32
    %sign3A_540 = arith.cmpi slt, %reduce_min3A_520, %sign3A_539 : i32
    %sign3A_541 = arith.extui %sign3A_540 : i1 to i32
    %sign3A_542 = arith.subi %sign3A_538, %sign3A_541 : i32
    %sign3A_543 = arith.constant 0 : i32
    %sign3A_544 = arith.cmpi sgt, %jit3A_534, %sign3A_543 : i32
    %sign3A_545 = arith.extui %sign3A_544 : i1 to i32
    %sign3A_546 = arith.constant 0 : i32
    %sign3A_547 = arith.cmpi slt, %jit3A_534, %sign3A_546 : i32
    %sign3A_548 = arith.extui %sign3A_547 : i1 to i32
    %sign3A_549 = arith.subi %sign3A_545, %sign3A_548 : i32
    %ne3A_550 = arith.cmpi ne, %sign3A_542, %sign3A_549 : i32
    %rem3A_551 = arith.remsi %reduce_min3A_520, %jit3A_534 : i32
    %ne3A_552 = arith.constant 0 : i32
    %ne3A_553 = arith.cmpi ne, %rem3A_551, %ne3A_552 : i32
    %and3A_554 = arith.andi %ne3A_550, %ne3A_553 : i1
    %sub3A_555 = arith.constant 1 : i32
    %sub3A_556 = arith.subi %div3A_535, %sub3A_555 : i32
    %select_n3A_557 = arith.select %and3A_554, %sub3A_556, %div3A_535 : i32
    %mul3A_558 = arith.constant 8 : i32
    %mul3A_559 = arith.muli %select_n3A_557, %mul3A_558 : i32
    %sub3A_560 = arith.subi %reduce_min3A_520, %mul3A_559 : i32
    %mul3A_561 = arith.constant 12500 : i32
    %mul3A_562 = arith.muli %sub3A_560, %mul3A_561 : i32
    %add3A_563 = arith.addi %mul3A_562, %reduce_min3A_533 : i32
    %eq3A_564 = vector.broadcast %reduce_min3A_533 : i32 to vector<1x12500xi32>
    %eq3A_565 = arith.cmpi eq, %iota3A_13, %eq3A_564 : vector<1x12500xi32>
    %jit3A_566 = arith.constant 0xFF800000 : f32
    %broadcast_in_dim3A_567 = vector.broadcast %jit3A_566 : f32 to vector<1x12500xf32>
    %select_n3A_568 = arith.select %eq3A_565, %broadcast_in_dim3A_567, %get3A_523 : vector<1x12500xi1>, vector<1x12500xf32>
    %swap3A_569 = arith.index_cast %reduce_min3A_520 : i32 to index
    %swap3A_570 = arith.constant 0 : index
    %swap3A_571 = vector.load %arg10[%swap3A_569, %swap3A_570] : memref<40x12500xf32, #tpu.memory_space<vmem>>, vector<1x12500xf32>
    tpu.vector_store %arg10[%swap3A_569, %swap3A_570], %select_n3A_568 {strides = array<i32>} : memref<40x12500xf32, #tpu.memory_space<vmem>>, vector<1x12500xf32>,
    %eq3A_572 = vector.broadcast %reduce_min3A_520 : i32 to vector<40x1xi32>
    %eq3A_573 = arith.cmpi eq, %iota3A, %eq3A_572 : vector<40x1xi32>
    %reduce_max3A_574 = vector.shape_cast %select_n3A_568 : vector<1x12500xf32> to vector<1x1x12500xf32>
    %reduce_max3A_575 = arith.constant dense<0xFF800000> : vector<1xf32>
    %reduce_max3A_576 = vector.multi_reduction <maximumf>, %reduce_max3A_574, %reduce_max3A_575 [1, 2] : vector<1x1x12500xf32> to vector<1xf32>
    %reduce_max3A_577 = vector.shape_cast %reduce_max3A_576 : vector<1xf32> to vector<1x1x1xf32>
    %reduce_max3A_578 = vector.extract %reduce_max3A_577[0, 0, 0] : f32 from vector<1x1x1xf32>
    %broadcast_in_dim3A_579 = vector.broadcast %reduce_max3A_578 : f32 to vector<40x1xf32>
    %select_n3A_580 = arith.select %eq3A_573, %broadcast_in_dim3A_579, %select_n3A_416 : vector<40x1xi1>, vector<40x1xf32>
    %eq3A_581 = arith.constant 3 : i32
    %eq3A_582 = vector.broadcast %eq3A_581 : i32 to vector<1x8xi32>
    %eq3A_583 = arith.cmpi eq, %iota3A_14, %eq3A_582 : vector<1x8xi32>
    %broadcast_in_dim3A_584 = vector.broadcast %reduce_max3A_510 : f32 to vector<1x8xf32>
    %select_n3A_585 = arith.select %eq3A_583, %broadcast_in_dim3A_584, %select_n3A_421 : vector<1x8xi1>, vector<1x8xf32>
    %mul3A_586 = arith.constant 2 : i32
    %mul3A_587 = arith.muli %select_n3A_557, %mul3A_586 : i32
    %add3A_588 = arith.constant 0 : i32
    %add3A_589 = arith.addi %mul3A_587, %add3A_588 : i32
    %eq3A_590 = vector.broadcast %add3A_589 : i32 to vector<1x10xi32>
    %eq3A_591 = arith.cmpi eq, %iota3A_16, %eq3A_590 : vector<1x10xi32>
    %jit3A_592 = arith.constant 0 : i32
    %broadcast_in_dim3A_593 = vector.broadcast %jit3A_592 : i32 to vector<1x10xi32>
    %select_n3A_594 = arith.select %eq3A_591, %get3A_21, %broadcast_in_dim3A_593 : vector<1x10xi1>, vector<1x10xi32>
    %reduce_sum3A_595 = vector.shape_cast %select_n3A_594 : vector<1x10xi32> to vector<1x1x10xi32>
    %reduce_sum3A_596 = arith.constant dense<0> : vector<1xi32>
    %reduce_sum3A_597 = vector.multi_reduction <add>, %reduce_sum3A_595, %reduce_sum3A_596 [1, 2] : vector<1x1x10xi32> to vector<1xi32>
    %reduce_sum3A_598 = vector.shape_cast %reduce_sum3A_597 : vector<1xi32> to vector<1x1x1xi32>
    %reduce_sum3A_599 = vector.extract %reduce_sum3A_598[0, 0, 0] : i32 from vector<1x1x1xi32>
    %eq3A_600 = arith.constant 9 : i32
    %eq3A_601 = vector.broadcast %eq3A_600 : i32 to vector<1x16xi32>
    %eq3A_602 = arith.cmpi eq, %iota3A_15, %eq3A_601 : vector<1x16xi32>
    %broadcast_in_dim3A_603 = vector.broadcast %reduce_sum3A_599 : i32 to vector<1x16xi32>
    %select_n3A_604 = arith.select %eq3A_602, %broadcast_in_dim3A_603, %select_n3A_464 : vector<1x16xi1>, vector<1x16xi32>
    %mul3A_605 = arith.constant 2 : i32
    %mul3A_606 = arith.muli %select_n3A_557, %mul3A_605 : i32
    %add3A_607 = arith.constant 1 : i32
    %add3A_608 = arith.addi %mul3A_606, %add3A_607 : i32
    %eq3A_609 = vector.broadcast %add3A_608 : i32 to vector<1x10xi32>
    %eq3A_610 = arith.cmpi eq, %iota3A_16, %eq3A_609 : vector<1x10xi32>
    %jit3A_611 = arith.constant 0 : i32
    %broadcast_in_dim3A_612 = vector.broadcast %jit3A_611 : i32 to vector<1x10xi32>
    %select_n3A_613 = arith.select %eq3A_610, %get3A_21, %broadcast_in_dim3A_612 : vector<1x10xi1>, vector<1x10xi32>
    %reduce_sum3A_614 = vector.shape_cast %select_n3A_613 : vector<1x10xi32> to vector<1x1x10xi32>
    %reduce_sum3A_615 = arith.constant dense<0> : vector<1xi32>
    %reduce_sum3A_616 = vector.multi_reduction <add>, %reduce_sum3A_614, %reduce_sum3A_615 [1, 2] : vector<1x1x10xi32> to vector<1xi32>
    %reduce_sum3A_617 = vector.shape_cast %reduce_sum3A_616 : vector<1xi32> to vector<1x1x1xi32>
    %reduce_sum3A_618 = vector.extract %reduce_sum3A_617[0, 0, 0] : i32 from vector<1x1x1xi32>
    %eq3A_619 = arith.constant 10 : i32
    %eq3A_620 = vector.broadcast %eq3A_619 : i32 to vector<1x16xi32>
    %eq3A_621 = arith.cmpi eq, %iota3A_15, %eq3A_620 : vector<1x16xi32>
    %broadcast_in_dim3A_622 = vector.broadcast %reduce_sum3A_618 : i32 to vector<1x16xi32>
    %select_n3A_623 = arith.select %eq3A_621, %broadcast_in_dim3A_622, %select_n3A_604 : vector<1x16xi1>, vector<1x16xi32>
    %eq3A_624 = arith.constant 11 : i32
    %eq3A_625 = vector.broadcast %eq3A_624 : i32 to vector<1x16xi32>
    %eq3A_626 = arith.cmpi eq, %iota3A_15, %eq3A_625 : vector<1x16xi32>
    %broadcast_in_dim3A_627 = vector.broadcast %add3A_563 : i32 to vector<1x16xi32>
    %select_n3A_628 = arith.select %eq3A_626, %broadcast_in_dim3A_627, %select_n3A_623 : vector<1x16xi1>, vector<1x16xi32>
    %mul3A_629 = arith.constant 2 : i32
    %mul3A_630 = arith.muli %select_n3A_557, %mul3A_629 : i32
    %mul3A_631 = arith.constant 8 : i32
    %mul3A_632 = arith.muli %mul3A_630, %mul3A_631 : i32
    %get3A_633 = arith.constant 0 : index
    %get3A_634 = arith.index_cast %mul3A_632 : i32 to index
    %get3A_635 = arith.constant 0 : index
    %get3A_636 = vector.load %arg4[%get3A_633, %get3A_634, %get3A_635] : memref<1x80x12500xf32, #tpu.memory_space<vmem>>, vector<1x16x12500xf32>
    %get3A_637 = vector.shape_cast %get3A_636 : vector<1x16x12500xf32> to vector<16x12500xf32>
    %swap3A_638 = arith.constant 0 : index
    %swap3A_639 = arith.constant 72 : index
    %swap3A_640 = arith.constant 0 : index
    %swap3A_641 = vector.load %arg8[%swap3A_638, %swap3A_639, %swap3A_640] : memref<1x120x12500xf32, #tpu.memory_space<vmem>>, vector<1x16x12500xf32>
    %swap3A_642 = vector.shape_cast %swap3A_641 : vector<1x16x12500xf32> to vector<16x12500xf32>
    %swap3A_643 = vector.shape_cast %get3A_637 : vector<16x12500xf32> to vector<1x16x12500xf32>
    tpu.vector_store %arg8[%swap3A_638, %swap3A_639, %swap3A_640], %swap3A_643 {strides = array<i32>} : memref<1x120x12500xf32, #tpu.memory_space<vmem>>, vector<1x16x12500xf32>,
    %mul3A_644 = arith.constant 8 : i32
    %mul3A_645 = arith.muli %select_n3A_557, %mul3A_644 : i32
    %get3A_646 = arith.constant 0 : index
    %get3A_647 = arith.index_cast %mul3A_645 : i32 to index
    %get3A_648 = arith.constant 0 : index
    %get3A_649 = vector.load %arg1[%get3A_646, %get3A_647, %get3A_648] : memref<1x40x12500xf32, #tpu.memory_space<vmem>>, vector<1x8x12500xf32>
    %get3A_650 = vector.shape_cast %get3A_649 : vector<1x8x12500xf32> to vector<8x12500xf32>
    %swap3A_651 = arith.constant 0 : index
    %swap3A_652 = arith.constant 88 : index
    %swap3A_653 = arith.constant 0 : index
    %swap3A_654 = vector.load %arg8[%swap3A_651, %swap3A_652, %swap3A_653] : memref<1x120x12500xf32, #tpu.memory_space<vmem>>, vector<1x8x12500xf32>
    %swap3A_655 = vector.shape_cast %swap3A_654 : vector<1x8x12500xf32> to vector<8x12500xf32>
    %swap3A_656 = vector.shape_cast %get3A_650 : vector<8x12500xf32> to vector<1x8x12500xf32>
    tpu.vector_store %arg8[%swap3A_651, %swap3A_652, %swap3A_653], %swap3A_656 {strides = array<i32>} : memref<1x120x12500xf32, #tpu.memory_space<vmem>>, vector<1x8x12500xf32>,
    %get3A_657 = arith.constant 0 : index
    %get3A_658 = arith.constant 0 : index
    %get3A_659 = arith.index_cast %select_n3A_557 : i32 to index
    %get3A_660 = arith.constant 0 : index
    %get3A_661 = vector.load %arg5[%get3A_657, %get3A_658, %get3A_659, %get3A_660] : memref<2x1x5x1024xf32, #tpu.memory_space<vmem>>, vector<2x1x1x1024xf32>
    %get3A_662 = vector.shape_cast %get3A_661 : vector<2x1x1x1024xf32> to vector<2x1x1024xf32>
    %swap3A_663 = arith.constant 0 : index
    %swap3A_664 = arith.constant 0 : index
    %swap3A_665 = arith.constant 3 : index
    %swap3A_666 = arith.constant 0 : index
    %swap3A_667 = vector.load %arg9[%swap3A_663, %swap3A_664, %swap3A_665, %swap3A_666] : memref<2x1x5x1024xf32, #tpu.memory_space<vmem>>, vector<2x1x1x1024xf32>
    %swap3A_668 = vector.shape_cast %swap3A_667 : vector<2x1x1x1024xf32> to vector<2x1x1024xf32>
    %swap3A_669 = vector.shape_cast %get3A_662 : vector<2x1x1024xf32> to vector<2x1x1x1024xf32>
    tpu.vector_store %arg9[%swap3A_663, %swap3A_664, %swap3A_665, %swap3A_666], %swap3A_669 {strides = array<i32>} : memref<2x1x5x1024xf32, #tpu.memory_space<vmem>>, vector<2x1x1x1024xf32>,
    %reduce_max3A_670 = vector.shape_cast %select_n3A_580 : vector<40x1xf32> to vector<1x40x1xf32>
    %reduce_max3A_671 = arith.constant dense<0xFF800000> : vector<1xf32>
    %reduce_max3A_672 = vector.multi_reduction <maximumf>, %reduce_max3A_670, %reduce_max3A_671 [1, 2] : vector<1x40x1xf32> to vector<1xf32>
    %reduce_max3A_673 = vector.shape_cast %reduce_max3A_672 : vector<1xf32> to vector<1x1x1xf32>
    %reduce_max3A_674 = vector.extract %reduce_max3A_673[0, 0, 0] : f32 from vector<1x1x1xf32>
    %eq3A_675 = vector.broadcast %reduce_max3A_674 : f32 to vector<40x1xf32>
    %eq3A_676 = arith.cmpf oeq, %select_n3A_580, %eq3A_675 : vector<40x1xf32>
    %jit3A_677 = arith.constant 2147483647 : i32
    %broadcast_in_dim3A_678 = vector.broadcast %jit3A_677 : i32 to vector<40x1xi32>
    %select_n3A_679 = arith.select %eq3A_676, %iota3A, %broadcast_in_dim3A_678 : vector<40x1xi1>, vector<40x1xi32>
    %reduce_min3A_680 = vector.shape_cast %select_n3A_679 : vector<40x1xi32> to vector<1x40x1xi32>
    %reduce_min3A_681 = arith.constant dense<2147483647> : vector<1xi32>
    %reduce_min3A_682 = vector.multi_reduction <minsi>, %reduce_min3A_680, %reduce_min3A_681 [1, 2] : vector<1x40x1xi32> to vector<1xi32>
    %reduce_min3A_683 = vector.shape_cast %reduce_min3A_682 : vector<1xi32> to vector<1x1x1xi32>
    %reduce_min3A_684 = vector.extract %reduce_min3A_683[0, 0, 0] : i32 from vector<1x1x1xi32>
    %get3A_685 = arith.index_cast %reduce_min3A_684 : i32 to index
    %get3A_686 = arith.constant 0 : index
    %get3A_687 = vector.load %arg10[%get3A_685, %get3A_686] : memref<40x12500xf32, #tpu.memory_space<vmem>>, vector<1x12500xf32>
    %eq3A_688 = vector.broadcast %reduce_max3A_674 : f32 to vector<1x12500xf32>
    %eq3A_689 = arith.cmpf oeq, %get3A_687, %eq3A_688 : vector<1x12500xf32>
    %jit3A_690 = arith.constant 2147483647 : i32
    %broadcast_in_dim3A_691 = vector.broadcast %jit3A_690 : i32 to vector<1x12500xi32>
    %select_n3A_692 = arith.select %eq3A_689, %iota3A_13, %broadcast_in_dim3A_691 : vector<1x12500xi1>, vector<1x12500xi32>
    %reduce_min3A_693 = vector.shape_cast %select_n3A_692 : vector<1x12500xi32> to vector<1x1x12500xi32>
    %reduce_min3A_694 = arith.constant dense<2147483647> : vector<1xi32>
    %reduce_min3A_695 = vector.multi_reduction <minsi>, %reduce_min3A_693, %reduce_min3A_694 [1, 2] : vector<1x1x12500xi32> to vector<1xi32>
    %reduce_min3A_696 = vector.shape_cast %reduce_min3A_695 : vector<1xi32> to vector<1x1x1xi32>
    %reduce_min3A_697 = vector.extract %reduce_min3A_696[0, 0, 0] : i32 from vector<1x1x1xi32>
    %jit3A_698 = arith.constant 8 : i32
    %div3A_699 = arith.divsi %reduce_min3A_684, %jit3A_698 : i32
    %sign3A_700 = arith.constant 0 : i32
    %sign3A_701 = arith.cmpi sgt, %reduce_min3A_684, %sign3A_700 : i32
    %sign3A_702 = arith.extui %sign3A_701 : i1 to i32
    %sign3A_703 = arith.constant 0 : i32
    %sign3A_704 = arith.cmpi slt, %reduce_min3A_684, %sign3A_703 : i32
    %sign3A_705 = arith.extui %sign3A_704 : i1 to i32
    %sign3A_706 = arith.subi %sign3A_702, %sign3A_705 : i32
    %sign3A_707 = arith.constant 0 : i32
    %sign3A_708 = arith.cmpi sgt, %jit3A_698, %sign3A_707 : i32
    %sign3A_709 = arith.extui %sign3A_708 : i1 to i32
    %sign3A_710 = arith.constant 0 : i32
    %sign3A_711 = arith.cmpi slt, %jit3A_698, %sign3A_710 : i32
    %sign3A_712 = arith.extui %sign3A_711 : i1 to i32
    %sign3A_713 = arith.subi %sign3A_709, %sign3A_712 : i32
    %ne3A_714 = arith.cmpi ne, %sign3A_706, %sign3A_713 : i32
    %rem3A_715 = arith.remsi %reduce_min3A_684, %jit3A_698 : i32
    %ne3A_716 = arith.constant 0 : i32
    %ne3A_717 = arith.cmpi ne, %rem3A_715, %ne3A_716 : i32
    %and3A_718 = arith.andi %ne3A_714, %ne3A_717 : i1
    %sub3A_719 = arith.constant 1 : i32
    %sub3A_720 = arith.subi %div3A_699, %sub3A_719 : i32
    %select_n3A_721 = arith.select %and3A_718, %sub3A_720, %div3A_699 : i32
    %mul3A_722 = arith.constant 8 : i32
    %mul3A_723 = arith.muli %select_n3A_721, %mul3A_722 : i32
    %sub3A_724 = arith.subi %reduce_min3A_684, %mul3A_723 : i32
    %mul3A_725 = arith.constant 12500 : i32
    %mul3A_726 = arith.muli %sub3A_724, %mul3A_725 : i32
    %add3A_727 = arith.addi %mul3A_726, %reduce_min3A_697 : i32
    %eq3A_728 = vector.broadcast %reduce_min3A_697 : i32 to vector<1x12500xi32>
    %eq3A_729 = arith.cmpi eq, %iota3A_13, %eq3A_728 : vector<1x12500xi32>
    %jit3A_730 = arith.constant 0xFF800000 : f32
    %broadcast_in_dim3A_731 = vector.broadcast %jit3A_730 : f32 to vector<1x12500xf32>
    %select_n3A_732 = arith.select %eq3A_729, %broadcast_in_dim3A_731, %get3A_687 : vector<1x12500xi1>, vector<1x12500xf32>
    %swap3A_733 = arith.index_cast %reduce_min3A_684 : i32 to index
    %swap3A_734 = arith.constant 0 : index
    %swap3A_735 = vector.load %arg10[%swap3A_733, %swap3A_734] : memref<40x12500xf32, #tpu.memory_space<vmem>>, vector<1x12500xf32>
    tpu.vector_store %arg10[%swap3A_733, %swap3A_734], %select_n3A_732 {strides = array<i32>} : memref<40x12500xf32, #tpu.memory_space<vmem>>, vector<1x12500xf32>,
    %eq3A_736 = arith.constant 4 : i32
    %eq3A_737 = vector.broadcast %eq3A_736 : i32 to vector<1x8xi32>
    %eq3A_738 = arith.cmpi eq, %iota3A_14, %eq3A_737 : vector<1x8xi32>
    %broadcast_in_dim3A_739 = vector.broadcast %reduce_max3A_674 : f32 to vector<1x8xf32>
    %select_n3A_740 = arith.select %eq3A_738, %broadcast_in_dim3A_739, %select_n3A_585 : vector<1x8xi1>, vector<1x8xf32>
    %mul3A_741 = arith.constant 2 : i32
    %mul3A_742 = arith.muli %select_n3A_721, %mul3A_741 : i32
    %add3A_743 = arith.constant 0 : i32
    %add3A_744 = arith.addi %mul3A_742, %add3A_743 : i32
    %eq3A_745 = vector.broadcast %add3A_744 : i32 to vector<1x10xi32>
    %eq3A_746 = arith.cmpi eq, %iota3A_16, %eq3A_745 : vector<1x10xi32>
    %jit3A_747 = arith.constant 0 : i32
    %broadcast_in_dim3A_748 = vector.broadcast %jit3A_747 : i32 to vector<1x10xi32>
    %select_n3A_749 = arith.select %eq3A_746, %get3A_21, %broadcast_in_dim3A_748 : vector<1x10xi1>, vector<1x10xi32>
    %reduce_sum3A_750 = vector.shape_cast %select_n3A_749 : vector<1x10xi32> to vector<1x1x10xi32>
    %reduce_sum3A_751 = arith.constant dense<0> : vector<1xi32>
    %reduce_sum3A_752 = vector.multi_reduction <add>, %reduce_sum3A_750, %reduce_sum3A_751 [1, 2] : vector<1x1x10xi32> to vector<1xi32>
    %reduce_sum3A_753 = vector.shape_cast %reduce_sum3A_752 : vector<1xi32> to vector<1x1x1xi32>
    %reduce_sum3A_754 = vector.extract %reduce_sum3A_753[0, 0, 0] : i32 from vector<1x1x1xi32>
    %eq3A_755 = arith.constant 12 : i32
    %eq3A_756 = vector.broadcast %eq3A_755 : i32 to vector<1x16xi32>
    %eq3A_757 = arith.cmpi eq, %iota3A_15, %eq3A_756 : vector<1x16xi32>
    %broadcast_in_dim3A_758 = vector.broadcast %reduce_sum3A_754 : i32 to vector<1x16xi32>
    %select_n3A_759 = arith.select %eq3A_757, %broadcast_in_dim3A_758, %select_n3A_628 : vector<1x16xi1>, vector<1x16xi32>
    %mul3A_760 = arith.constant 2 : i32
    %mul3A_761 = arith.muli %select_n3A_721, %mul3A_760 : i32
    %add3A_762 = arith.constant 1 : i32
    %add3A_763 = arith.addi %mul3A_761, %add3A_762 : i32
    %eq3A_764 = vector.broadcast %add3A_763 : i32 to vector<1x10xi32>
    %eq3A_765 = arith.cmpi eq, %iota3A_16, %eq3A_764 : vector<1x10xi32>
    %jit3A_766 = arith.constant 0 : i32
    %broadcast_in_dim3A_767 = vector.broadcast %jit3A_766 : i32 to vector<1x10xi32>
    %select_n3A_768 = arith.select %eq3A_765, %get3A_21, %broadcast_in_dim3A_767 : vector<1x10xi1>, vector<1x10xi32>
    %reduce_sum3A_769 = vector.shape_cast %select_n3A_768 : vector<1x10xi32> to vector<1x1x10xi32>
    %reduce_sum3A_770 = arith.constant dense<0> : vector<1xi32>
    %reduce_sum3A_771 = vector.multi_reduction <add>, %reduce_sum3A_769, %reduce_sum3A_770 [1, 2] : vector<1x1x10xi32> to vector<1xi32>
    %reduce_sum3A_772 = vector.shape_cast %reduce_sum3A_771 : vector<1xi32> to vector<1x1x1xi32>
    %reduce_sum3A_773 = vector.extract %reduce_sum3A_772[0, 0, 0] : i32 from vector<1x1x1xi32>
    %eq3A_774 = arith.constant 13 : i32
    %eq3A_775 = vector.broadcast %eq3A_774 : i32 to vector<1x16xi32>
    %eq3A_776 = arith.cmpi eq, %iota3A_15, %eq3A_775 : vector<1x16xi32>
    %broadcast_in_dim3A_777 = vector.broadcast %reduce_sum3A_773 : i32 to vector<1x16xi32>
    %select_n3A_778 = arith.select %eq3A_776, %broadcast_in_dim3A_777, %select_n3A_759 : vector<1x16xi1>, vector<1x16xi32>
    %eq3A_779 = arith.constant 14 : i32
    %eq3A_780 = vector.broadcast %eq3A_779 : i32 to vector<1x16xi32>
    %eq3A_781 = arith.cmpi eq, %iota3A_15, %eq3A_780 : vector<1x16xi32>
    %broadcast_in_dim3A_782 = vector.broadcast %add3A_727 : i32 to vector<1x16xi32>
    %select_n3A_783 = arith.select %eq3A_781, %broadcast_in_dim3A_782, %select_n3A_778 : vector<1x16xi1>, vector<1x16xi32>
    %mul3A_784 = arith.constant 2 : i32
    %mul3A_785 = arith.muli %select_n3A_721, %mul3A_784 : i32
    %mul3A_786 = arith.constant 8 : i32
    %mul3A_787 = arith.muli %mul3A_785, %mul3A_786 : i32
    %get3A_788 = arith.constant 0 : index
    %get3A_789 = arith.index_cast %mul3A_787 : i32 to index
    %get3A_790 = arith.constant 0 : index
    %get3A_791 = vector.load %arg4[%get3A_788, %get3A_789, %get3A_790] : memref<1x80x12500xf32, #tpu.memory_space<vmem>>, vector<1x16x12500xf32>
    %get3A_792 = vector.shape_cast %get3A_791 : vector<1x16x12500xf32> to vector<16x12500xf32>
    %swap3A_793 = arith.constant 0 : index
    %swap3A_794 = arith.constant 96 : index
    %swap3A_795 = arith.constant 0 : index
    %swap3A_796 = vector.load %arg8[%swap3A_793, %swap3A_794, %swap3A_795] : memref<1x120x12500xf32, #tpu.memory_space<vmem>>, vector<1x16x12500xf32>
    %swap3A_797 = vector.shape_cast %swap3A_796 : vector<1x16x12500xf32> to vector<16x12500xf32>
    %swap3A_798 = vector.shape_cast %get3A_792 : vector<16x12500xf32> to vector<1x16x12500xf32>
    tpu.vector_store %arg8[%swap3A_793, %swap3A_794, %swap3A_795], %swap3A_798 {strides = array<i32>} : memref<1x120x12500xf32, #tpu.memory_space<vmem>>, vector<1x16x12500xf32>,
    %mul3A_799 = arith.constant 8 : i32
    %mul3A_800 = arith.muli %select_n3A_721, %mul3A_799 : i32
    %get3A_801 = arith.constant 0 : index
    %get3A_802 = arith.index_cast %mul3A_800 : i32 to index
    %get3A_803 = arith.constant 0 : index
    %get3A_804 = vector.load %arg1[%get3A_801, %get3A_802, %get3A_803] : memref<1x40x12500xf32, #tpu.memory_space<vmem>>, vector<1x8x12500xf32>
    %get3A_805 = vector.shape_cast %get3A_804 : vector<1x8x12500xf32> to vector<8x12500xf32>
    %swap3A_806 = arith.constant 0 : index
    %swap3A_807 = arith.constant 112 : index
    %swap3A_808 = arith.constant 0 : index
    %swap3A_809 = vector.load %arg8[%swap3A_806, %swap3A_807, %swap3A_808] : memref<1x120x12500xf32, #tpu.memory_space<vmem>>, vector<1x8x12500xf32>
    %swap3A_810 = vector.shape_cast %swap3A_809 : vector<1x8x12500xf32> to vector<8x12500xf32>
    %swap3A_811 = vector.shape_cast %get3A_805 : vector<8x12500xf32> to vector<1x8x12500xf32>
    tpu.vector_store %arg8[%swap3A_806, %swap3A_807, %swap3A_808], %swap3A_811 {strides = array<i32>} : memref<1x120x12500xf32, #tpu.memory_space<vmem>>, vector<1x8x12500xf32>,
    %get3A_812 = arith.constant 0 : index
    %get3A_813 = arith.constant 0 : index
    %get3A_814 = arith.index_cast %select_n3A_721 : i32 to index
    %get3A_815 = arith.constant 0 : index
    %get3A_816 = vector.load %arg5[%get3A_812, %get3A_813, %get3A_814, %get3A_815] : memref<2x1x5x1024xf32, #tpu.memory_space<vmem>>, vector<2x1x1x1024xf32>
    %get3A_817 = vector.shape_cast %get3A_816 : vector<2x1x1x1024xf32> to vector<2x1x1024xf32>
    %swap3A_818 = arith.constant 0 : index
    %swap3A_819 = arith.constant 0 : index
    %swap3A_820 = arith.constant 4 : index
    %swap3A_821 = arith.constant 0 : index
    %swap3A_822 = vector.load %arg9[%swap3A_818, %swap3A_819, %swap3A_820, %swap3A_821] : memref<2x1x5x1024xf32, #tpu.memory_space<vmem>>, vector<2x1x1x1024xf32>
    %swap3A_823 = vector.shape_cast %swap3A_822 : vector<2x1x1x1024xf32> to vector<2x1x1024xf32>
    %swap3A_824 = vector.shape_cast %get3A_817 : vector<2x1x1024xf32> to vector<2x1x1x1024xf32>
    tpu.vector_store %arg9[%swap3A_818, %swap3A_819, %swap3A_820, %swap3A_821], %swap3A_824 {strides = array<i32>} : memref<2x1x5x1024xf32, #tpu.memory_space<vmem>>, vector<2x1x1x1024xf32>,
    %swap3A_825 = arith.constant 0 : index
    %swap3A_826 = arith.constant 0 : index
    %swap3A_827 = arith.constant 0 : index
    %swap3A_828 = vector.load %arg6[%swap3A_825, %swap3A_826, %swap3A_827] : memref<1x1x16xi32, #tpu.memory_space<vmem>>, vector<1x1x16xi32>
    %swap3A_829 = vector.shape_cast %swap3A_828 : vector<1x1x16xi32> to vector<1x16xi32>
    %swap3A_830 = vector.shape_cast %select_n3A_783 : vector<1x16xi32> to vector<1x1x16xi32>
    tpu.vector_store %arg6[%swap3A_825, %swap3A_826, %swap3A_827], %swap3A_830 {strides = array<i32>} : memref<1x1x16xi32, #tpu.memory_space<vmem>>, vector<1x1x16xi32>,
    %swap3A_831 = arith.constant 0 : index
    %swap3A_832 = arith.constant 0 : index
    %swap3A_833 = arith.constant 0 : index
    %swap3A_834 = vector.load %arg7[%swap3A_831, %swap3A_832, %swap3A_833] : memref<1x1x8xf32, #tpu.memory_space<vmem>>, vector<1x1x8xf32>
    %swap3A_835 = vector.shape_cast %swap3A_834 : vector<1x1x8xf32> to vector<1x8xf32>
    %swap3A_836 = vector.shape_cast %select_n3A_740 : vector<1x8xf32> to vector<1x1x8xf32>
    tpu.vector_store %arg7[%swap3A_831, %swap3A_832, %swap3A_833], %swap3A_836 {strides = array<i32>} : memref<1x1x8xf32, #tpu.memory_space<vmem>>, vector<1x1x8xf32>,
    return
  }
  func.func @transform_0(%arg0: i32) -> (i32, i32, i32) {
    %c0_i32 = arith.constant 0 : i32
    %c0_i32_0 = arith.constant 0 : i32
    %c0_i32_1 = arith.constant 0 : i32
    return %arg0, %c0_i32, %c0_i32_0 : i32, i32, i32
  }
  func.func @transform_1(%arg0: i32) -> (i32, i32, i32) {
    %c0_i32 = arith.constant 0 : i32
    %c0_i32_0 = arith.constant 0 : i32
    %c0_i32_1 = arith.constant 0 : i32
    return %arg0, %c0_i32, %c0_i32_0 : i32, i32, i32
  }
  func.func @transform_2(%arg0: i32) -> (i32, i32, i32) {
    %c0_i32 = arith.constant 0 : i32
    %c0_i32_0 = arith.constant 0 : i32
    %c0_i32_1 = arith.constant 0 : i32
    return %arg0, %c0_i32, %c0_i32_0 : i32, i32, i32
  }
  func.func @transform_3(%arg0: i32) -> (i32, i32, i32) {
    %c0_i32 = arith.constant 0 : i32
    %c0_i32_0 = arith.constant 0 : i32
    %c0_i32_1 = arith.constant 0 : i32
    return %arg0, %c0_i32, %c0_i32_0 : i32, i32, i32
  }
  func.func @transform_4(%arg0: i32) -> (i32, i32, i32, i32) {
    %c0_i32 = arith.constant 0 : i32
    %c0_i32_0 = arith.constant 0 : i32
    %c0_i32_1 = arith.constant 0 : i32
    %c0_i32_2 = arith.constant 0 : i32
    return %c0_i32, %arg0, %c0_i32_0, %c0_i32_1 : i32, i32, i32, i32
  }
  func.func @transform_5(%arg0: i32) -> (i32, i32, i32) {
    %c0_i32 = arith.constant 0 : i32
    %c0_i32_0 = arith.constant 0 : i32
    %c0_i32_1 = arith.constant 0 : i32
    return %arg0, %c0_i32, %c0_i32_0 : i32, i32, i32
  }
  func.func @transform_6(%arg0: i32) -> (i32, i32, i32) {
    %c0_i32 = arith.constant 0 : i32
    %c0_i32_0 = arith.constant 0 : i32
    %c0_i32_1 = arith.constant 0 : i32
    return %arg0, %c0_i32, %c0_i32_0 : i32, i32, i32
  }
  func.func @transform_7(%arg0: i32) -> (i32, i32, i32) {
    %c0_i32 = arith.constant 0 : i32
    %c0_i32_0 = arith.constant 0 : i32
    %c0_i32_1 = arith.constant 0 : i32
    return %arg0, %c0_i32, %c0_i32_0 : i32, i32, i32
  }
  func.func @transform_8(%arg0: i32) -> (i32, i32, i32, i32) {
    %c0_i32 = arith.constant 0 : i32
    %c0_i32_0 = arith.constant 0 : i32
    %c0_i32_1 = arith.constant 0 : i32
    %c0_i32_2 = arith.constant 0 : i32
    return %c0_i32, %arg0, %c0_i32_0, %c0_i32_1 : i32, i32, i32, i32
  }
}

</mosaic_0001>

<sc_bundles>
// kernel: sparse-core-data-format-call.cloned.1.call-start
scs
called_computation_lowered:
.L_overlay_start_0:
0x0: {  	s2 =	sld [smem:$0x3FD9]  }
0x1: {  	s3 =	sld [smem:$0x3FFE];
	_ =	sdelay $0x1  }
0x2: {  	s1 =	srdreg.scid  }
0x3: {  	s0 =	sand.u32 $0x1, s1  }
0x4: {  	s15 =	sshll.u32 s0, $0xA;
	s2 =	sadd.s32 s3, s2  }
0x5: {  	s2 =	sadd.s32 s2, s15  }
0x6: {  	[smem:$0x3FC3] =	sst s2  }
0x7: {  	_ = 	snop  }
0x8: {  	s2 =	sld [smem:$0x3FD0];
	_ =	sdelay $0x2  }
0x9: {  	s16 =	simm.s32 $0xA;
	s4 =	simm.s32 $0x10  }
0xa: {  	[smem:s4], [sflag:s16] =	dma.local [hbm:s2], $0x1  }
0xb: {  	_ =	swait.eq [sflag:s16], $0x1  }
0xc: {  	[sflag:s16] =	ssyncset.done $0x0  }
0xd: {  	[sflag:s16] =	ssyncadd.s32 $0xFFFFFFFF  }
0xe: {  	s17 =	sld [smem:$0x11];
	(tm) =	ssettm $0x1  }
0xf: {  	s18 =	sld [smem:$0x3FFB];
	_ =	sdelay $0x3  }
0x10: {  	_ =	strace s18  }
0x11: {  	s3 =	sld [smem:$0x3FFC];
	_ =	sdelay $0x3  }
0x12: {  	_ =	strace s3  }
0x13: {  	s3 =	sld [smem:$0x3FFD];
	_ =	sdelay $0x3  }
0x14: {  	_ =	strace s3  }
0x15: {  	_ =	strace $0x8FFFFFFF  }
0x16: {  	s19 =	sld [smem:$0x3FDB];
	_ =	sdelay $0x1  }
0x17: {  	s20 =	simm.s32 $_scs_section_size  }
0x18: {  	s5 =	simm.s32 $_size__tile_overlayer_lowered;
	s6 =	simm.s32 $_tile_overlayer_lowered  }
0x19: {  	s23 =	simm.s32 $0x1BFF;
	s22 =	sshll.u32 s6, $0x1;
	s3 =	sadd.s32 s20, s19  }
0x1a: {  	s7 =	simm.s32 $0x0;
	s21 =	sshll.u32 s5, $0x1;
	s5 =	sadd.s32 s22, s3  }
0x1b: {  	[timem:s7], [sflag:s23] =	dma.local [hbm:s5], s21  }
0x1c: {  	_ =	swait.ge [sflag:s23], s21  }
0x1d: {  	s4 =	ssub.s32 $0x0, s21;
	[sflag:s23] =	ssyncset.done $0x0  }
0x1e: {  	[sflag:s23] =	ssyncadd.s32 s4;
	_ =	sdelay $0x1  }
0x1f: {  	s24 =	simm.s32 $0x1B8B  }
0x20: {  	_ =	swait.ge [sflag:s24], $0x1  }
0x21: {  	[sflag:s24] =	ssyncset.done $0x0  }
0x22: {  	s26 =	simm.s32 $0x1B8E;
	s25 =	sld [smem:$0x3FFE];
	[sflag:s24] =	ssyncadd.s32 $0xFFFFFFFF  }
0x23: {  	s27 =	simm.s32 $execute0_lowered;
	[smem:$0x3FD2] =	sst s26  }
0x24: {  	s5 =	sshll.u32 s27, $0x1;
	_ =	strace $0x80000046;
	[dreg:$0x1] =	wrdreg $0xFFFFFFFF  }
0x25: {  	s28 =	simm.s32 $_size_execute0_lowered;
	s3 =	sadd.s32 s3, s5;
	[dreg:$0x0] =	wrdreg $0x0  }
0x26: {  	s5 =	sshll.u32 s28, $0x1;
	[dreg:$0x2] =	wrdreg s3  }
0x27: {  	[dreg:$0x3] =	wrdreg s5  }
0x28: {  	[dreg:$0x4] =	wrdreg $0xC0  }
0x29: {  	_ =	task [dreg:s7], $0x5FFFF  }
0x2a: {  	[dreg:$0x1] =	wrdreg $0xFFFFFFFF  }
0x2b: {  	[dreg:$0x0] =	wrdreg $0x60  }
0x2c: {  	[dreg:$0x2] =	wrdreg s25  }
0x2d: {  	[dreg:$0x3] =	wrdreg s17  }
0x2e: {  	[dreg:$0x4] =	wrdreg $0x9  }
0x2f: {  	_ =	task.clear_ibuf [dreg:s7], $0x5FFFF;
	_ =	strace $0x90000046  }
0x30: {  	s29 =	simm.s32 $0x9;
	_ =	strace $0x80000048  }
0x31: {  	_ =	swait.ge [sflag:s29], $0x1  }
0x32: {  	[sflag:s29] =	ssyncadd.s32 $0xFFFFFFFF  }
0x33: {  	_ =	strace $0x90000048  }
0x34: {  	_ =	sfence  }
0x35: {  	s30 =	sld [smem:$0x0];
	_ =	sdelay $0x2  }
0x36: {  	s31 =	sshll.u32 s1, $0xD;
	s1 =	sshrl.u32 s1, $0x2  }
0x37: {  	s3 =	sand.u32 $0x4000, s31;
	s1 =	sadd.s32 s1, s30  }
0x38: {  	s0 =	sor.u32 s3, s0;
	s1 =	sshll.u32 s1, $0x11  }
0x39: {  	s0 =	sor.u32 s1, s0  }
0x3a: {  	s0 =	sadd.s32 $0x8F2B, s0  }
0x3b: {  	[sflag:s0] =	ssyncadd.remote.s32 $0x1  }
0x3c: {  	_ =	sfence.sel $0xFFFF  }
0x3d: {  	[dreg:$0x0] =	wrdreg $0xFFFFFFFF;
	(pc) =	sbr.abs _section_cstart, $3  }
0x3e: {  	[dreg:$0x1] =	wrdreg $0xFFFFFFFF  }
0x3f: {  	_ =	task.clear_ibuf [dreg:s7], $0x2FFFF;
	_ =	strace $0x9FFFFFFF  }
0x40: {  	(tm) =	ssettm $0x7FFFFFFF  }
0x41: {  	_ =	shalt  }
tec
execute0_lowered:
.L_overlay_start_1:
0x0: {  	(tag) =	ssettag $0x1  }
0x1: {  	s0 =	srdreg.scid;
	s5 =	rddreg [dreg:$0x0]  }
0x2: {  	s2 =	rddreg [dreg:$0x1];
	s4 =	simm.s32 $0x1;
	s7 =	simm.s32 $0x2  }
0x3: {  	s17 =	simm.s32 $0x0;
	s9 =	simm.s32 $0x0;
	s1 =	sshll.u32 s0, $0x4  }
0x4: {  	s15 =	simm.s32 $0x0;
	s0 =	stileid.u32;
	s1 =	sand.u32 $0x10, s1  }
0x5: {  	s16 =	simm.s32 $0x0;
	s18 =	simm.s32 $0x0;
	s1 =	sor.u32 s0, s1  }
0x6: {  	s10 =	simm.s32 $0x0;
	s12 =	simm.s32 $0x0;
	s3 =	sshll.u32 s1, $0x7  }
.Ltmp0:
0x7: {  	s13 =	simm.s32 $0x0;
	s6 =	ssub.s32 $0x18680, s3;
	(pc) =	sbr.rel .LBB1_1-.Ltmp0, $4  }
0x8: {  	s1 =	rddreg [dreg:$0x2];
	_ =	strace $0x80000047;
	s6 =	sshrl.u32 s6, $0xC  }
0x9: {  	s14 =	simm.s32 $0x0;
	[sflag:s4] =	ssyncpa.u1 $0x0;
	s8 =	smul.u32 $0xF, s6  }
0xa: {  	s5 =	sadd.s32 $0x3D5600, s5;
	s11 =	smov.u32 s3;
	[sflag:s7] =	ssyncpa.u1 $0x0  }
0xb: {  	s6 =	sadd.s32 $0xF, s8;
	s7 =	sadd.s32 $0x10, s8;
	s8 =	simm.s32 $0xC3800  }
.LBB1_5:
0xc: {  	s19 =	sadd.s32 $0x1000, s11  }
0xd: {  	s15 =	simm.s32 $0x1;
	p1 =	sgt.s32 s19, $0x1869F  }
0xe: {  	s15 =	simm.s32 @!p1 $0x0  }
0xf: {  	s20 =	sadd.s32 s15, s10  }
0x10: {  	s15 =	simm.s32 $0x1;
	p2 =	sgt.s32 s20, $0x2  }
0x11: {  	s15 =	simm.s32 @!p2 $0x0  }
0x12: {  	s21 =	sadd.s32 s15, s12  }
0x13: {  	s22 =	smov.u32 s13;
	s15 =	sadd.s32 $0x10, s13;
	p3 =	sgt.s32 s21, $0x4  }
0x14: {  	p0 =	slt.u32 s14, $0x2;
	s22 =	smov.u32 @p3 s15  }
0x15: {  	s17 =	smov.u32 s11;
	s19 =	smov.u32 @p1 s3;
	p1 =	sgt.s32 s22, $0xF  }
0x16: {  	s23 =	simm.s32 @!p0 $0x2;
	s22 =	simm.s32 @p1 $0x0;
	p1 =	sne.s32 s14, s7  }
.Ltmp1:
0x17: {  	s16 =	smov.u32 s12;
	_ =	swait.ge @!p0 [sflag:s23], $0x800;
	(pc) =	sbr.rel @!p1 .LBB1_6-.Ltmp1, $4  }
0x18: {  	s18 =	smov.u32 s13;
	s9 =	sadd.s32 $0x800, s9;
	[sflag:s23] =	ssyncset.done @!p0 $0x0  }
0x19: {  	s11 =	smov.u32 s19;
	[sflag:s23] =	ssyncadd.s32 @!p0 $0xFFFFF800;
	s20 =	simm.s32 @p2 $0x0  }
0x1a: {  	s21 =	simm.s32 @p3 $0x0;
	s15 =	smov.u32 s10;
	s10 =	smov.u32 s20  }
0x1b: {  	s12 =	smov.u32 s21;
	s14 =	sadd.s32 $0x1, s14;
	s13 =	smov.u32 s22  }
.LBB1_1:
0x1c: {  	p0 =	sge.u32 s14, s6  }
0x1d: {  	s19 =	sshrl.u32 @!p0 s10, $0x2  }
0x1e: {  	s20 =	sshll.u32 @!p0 s11, $0x2;
	s19 =	smul.u32 @!p0 $0x61C00, s19  }
0x1f: {  	s21 =	sshll.u32 @!p0 s10, $0x7;
	s20 =	sand.u32 @!p0 $0xFFFFFE00, s20  }
0x20: {  	s19 =	sadd.s32 @!p0 s19, s20;
	s20 =	sand.u32 @!p0 $0x180, s21  }
0x21: {  	s21 =	sand.u32 @!p0 $0x7F, s11;
	s19 =	sor.u32 @!p0 s20, s19  }
0x22: {  	s20 =	sor.u32 @!p0 s21, s19  }
0x23: {  	s21 =	smulhi.u32 @!p0 $0xA79C7B17, s20  }
0x24: {  	s19 =	smulhi.u32 @!p0 $0xA79C7B17, s19  }
0x25: {  	s23 =	smul.u32 @!p0 $0x3D180, s13;
	s21 =	sshrl.u32 @!p0 s21, $0x10  }
0x26: {  	s22 =	sxor.u32 @!p0 $0xFFFFFFFF, s14;
	s19 =	sshrl.u32 @!p0 s19, $0x10;
	s21 =	smul.u32 @!p0 $0x18700, s21  }
0x27: {  	s24 =	smul.u32 @!p0 $0xC380, s12;
	s22 =	sshll.u32 @!p0 s22, $0xB;
	s19 =	sand.u32 @!p0 $0x3, s19  }
0x28: {  	s19 =	smul.u32 @!p0 $0x30E0, s19;
	s20 =	ssub.s32 @!p0 s20, s21;
	s21 =	sadd.s32 @!p0 s5, s23  }
0x29: {  	s22 =	sand.u32 @!p0 $0x800, s22;
	s21 =	sadd.s32 @!p0 s24, s21;
	s23 =	sand.u32 @!p0 $0x7, s20  }
0x2a: {  	s20 =	sshrl.u32 @!p0 s20, $0x3;
	s19 =	sadd.s32 @!p0 s19, s21;
	s21 =	sshll.u32 @!p0 s23, $0x12  }
0x2b: {  	s19 =	sadd.s32 @!p0 s20, s19;
	s20 =	sor.u32 @!p0 $0x80, s21;
	s21 =	simm.s32 @!p0 $0x1E8C00  }
0x2c: {  	[tilespmem:s22], [sflag:$0x1] =	stream.strided.gather @!p0 [hbm4b:s19+s20], $0x800, s21, s20, $0x38;
	[tilespmem:$0x2000] =	vst v63  }
0x2d: {  	p0 =	seq.s32 s14, $0x0  }
0x2e: {  	p1 =	sge.u32 @!p0 s14, s7  }
0x2f: {  	p0 =	por p0, p1  }
.Ltmp2:
0x30: {  	_ = 	snop;
	(pc) =	sbr.rel @p0 .LBB1_5-.Ltmp2, $1  }
0x31: {  	_ =	sdelay $0x3  }
0x32: {  	s19 =	sand.u32 $0x800, s9  }
0x33: {  	s20 =	sor.u32 $0x70, s19  }
0x34: {  	v1 =	vmov s20;
	_ =	sdelay $0x1  }
0x35: {  	_ =	swait.ge [sflag:s4], $0x800  }
0x36: {  	[sflag:s4] =	ssyncset.done $0x0  }
0x37: {  	s21 =	simm.s32 $0x0;
	[sflag:s4] =	ssyncadd.s32 $0xFFFFF800  }
0x38: {  	s19 =	sor.u32 $0x1040, s19;
	v6 =	vld.idx.msk [tilespmem:v1+s21+$0x0 ss:$0x1], $0xffff  }
0x39: {  	v0 =	vmov s19;
	v8 =	vld.idx.msk [tilespmem:v1+s21+$0xFFFFFF90 ss:$0x1], $0xffff  }
0x3a: {  	v7 =	vld.idx.msk [tilespmem:v1+s21+$0xFFFFFFA0 ss:$0x1], $0xffff  }
0x3b: {  	v5 =	vld.idx.msk [tilespmem:v1+s21+$0xFFFFFFB0 ss:$0x1], $0xffff  }
0x3c: {  	v4 =	vld.idx.msk [tilespmem:v1+s21+$0xFFFFFFC0 ss:$0x1], $0xffff  }
0x3d: {  	s31 =	sshll.u32 s14, $0xB;
	v2 =	vld.idx.msk [tilespmem:v1+s21+$0xFFFFFFD0 ss:$0x1], $0xffff  }
0x3e: {  	s19 =	sand.u32 $0x800, s31;
	v3 =	vld.idx.msk [tilespmem:v1+s21+$0xFFFFFFE0 ss:$0x1], $0xffff;
	[tilespmem:v0+s21+$0x30 ss:$0x1] =	vst.idx.msk $0xffff, v6  }
0x3f: {  	s22 =	simm.s32 $0x400;
	s20 =	simm.s32 $0x80;
	s19 =	sor.u32 $0x1000, s19;
	[tilespmem:v0+s21+$0xFFFFFFC0 ss:$0x1] =	vst.idx.msk $0xffff, v8;
	v6 =	vld.idx.msk [tilespmem:v1+s21+$0xFFFFFFF0 ss:$0x1], $0xffff  }
.LBB1_3:
0x40: {  	p0 =	sne.s32 s22, $0x1E00;
	v8 =	vld.idx.msk [tilespmem:v1+s20+$0x0 ss:$0x1], $0xffff;
	[tilespmem:v0+s21+$0xFFFFFFD0 ss:$0x1] =	vst.idx.msk $0xffff, v7  }
0x41: {  	v9 =	vld.idx.msk [tilespmem:v1+s20+$0xFFFFFF90 ss:$0x1], $0xffff;
	[tilespmem:v0+s21+$0xFFFFFFE0 ss:$0x1] =	vst.idx.msk $0xffff, v5  }
0x42: {  	v7 =	vld.idx.msk [tilespmem:v1+s20+$0xFFFFFFA0 ss:$0x1], $0xffff;
	[tilespmem:v0+s21+$0xFFFFFFF0 ss:$0x1] =	vst.idx.msk $0xffff, v4  }
.Ltmp3:
0x43: {  	v5 =	vld.idx.msk [tilespmem:v1+s20+$0xFFFFFFB0 ss:$0x1], $0xffff;
	[tilespmem:v0+s21+$0x0 ss:$0x1] =	vst.idx.msk $0xffff, v2;
	(pc) =	sbr.rel @p0 .LBB1_3-.Ltmp3, $4  }
0x44: {  	v4 =	vld.idx.msk [tilespmem:v1+s20+$0xFFFFFFC0 ss:$0x1], $0xffff;
	[tilespmem:v0+s21+$0x10 ss:$0x1] =	vst.idx.msk $0xffff, v3  }
0x45: {  	v2 =	vld.idx.msk [tilespmem:v1+s20+$0xFFFFFFD0 ss:$0x1], $0xffff;
	[tilespmem:v0+s21+$0x20 ss:$0x1] =	vst.idx.msk $0xffff, v6;
	s21 =	smov.u32 s20  }
0x46: {  	v3 =	vld.idx.msk [tilespmem:v1+s21+$0xFFFFFFE0 ss:$0x1], $0xffff;
	[tilespmem:v0+s21+$0x30 ss:$0x1] =	vst.idx.msk $0xffff, v8  }
0x47: {  	s20 =	sshra.s32 s22, $0x2;
	s22 =	sadd.s32 $0x200, s22;
	[tilespmem:v0+s21+$0xFFFFFFC0 ss:$0x1] =	vst.idx.msk $0xffff, v9;
	v6 =	vld.idx.msk [tilespmem:v1+s21+$0xFFFFFFF0 ss:$0x1], $0xffff  }
0x48: {  	_ =	sdelay $0x2  }
0x49: {  	s22 =	sshrl.u32 s18, $0x3  }
0x4a: {  	s23 =	sshll.u32 s17, $0x3;
	[tilespmem:v0+s21+$0xFFFFFFD0 ss:$0x1] =	vst.idx.msk $0xffff, v7;
	s22 =	smul.u32 $0xC3800, s22  }
0x4b: {  	s27 =	sshll.u32 s18, $0x7;
	v56 =	vld.idx.msk [tilespmem:v1+s20+$0x0 ss:$0x1], $0xffff;
	[tilespmem:v0+s21+$0xFFFFFFE0 ss:$0x1] =	vst.idx.msk $0xffff, v5;
	s23 =	sand.u32 $0xFFFFFC00, s23  }
0x4c: {  	v57 =	vld.idx.msk [tilespmem:v1+s20+$0xFFFFFF90 ss:$0x1], $0xffff;
	s18 =	sand.u32 $0x380, s27;
	[tilespmem:v0+s21+$0xFFFFFFF0 ss:$0x1] =	vst.idx.msk $0xffff, v4;
	s22 =	sadd.s32 s22, s23  }
0x4d: {  	s28 =	sand.u32 $0x7F, s17;
	v58 =	vld.idx.msk [tilespmem:v1+s20+$0xFFFFFFA0 ss:$0x1], $0xffff;
	[tilespmem:v0+s21+$0x0 ss:$0x1] =	vst.idx.msk $0xffff, v2;
	s18 =	sor.u32 s18, s22  }
0x4e: {  	v59 =	vld.idx.msk [tilespmem:v1+s20+$0xFFFFFFB0 ss:$0x1], $0xffff;
	[tilespmem:v0+s21+$0x10 ss:$0x1] =	vst.idx.msk $0xffff, v3;
	s17 =	sor.u32 s28, s18;
	s18 =	smulhi.u32 $0xA79C7B17, s18  }
0x4f: {  	v60 =	vld.idx.msk [tilespmem:v1+s20+$0xFFFFFFC0 ss:$0x1], $0xffff;
	[tilespmem:v0+s21+$0x20 ss:$0x1] =	vst.idx.msk $0xffff, v6;
	s29 =	smulhi.u32 $0xA79C7B17, s17  }
0x50: {  	v61 =	vld.idx.msk [tilespmem:v1+s20+$0xFFFFFFD0 ss:$0x1], $0xffff;
	s16 =	smul.u32 $0x92A00, s16;
	[tilespmem:v0+s20+$0x30 ss:$0x1] =	vst.idx.msk $0xffff, v56  }
0x51: {  	v62 =	vld.idx.msk [tilespmem:v1+s20+$0xFFFFFFE0 ss:$0x1], $0xffff;
	s15 =	smul.u32 $0x30E00, s15;
	[tilespmem:v0+s20+$0xFFFFFFC0 ss:$0x1] =	vst.idx.msk $0xffff, v57;
	s18 =	sshrl.u32 s18, $0x10;
	s30 =	sshrl.u32 s29, $0x10  }
0x52: {  	v63 =	vld.idx.msk [tilespmem:v1+s20+$0xFFFFFFF0 ss:$0x1], $0xffff;
	[tilespmem:v0+s20+$0xFFFFFFD0 ss:$0x1] =	vst.idx.msk $0xffff, v58;
	s18 =	sand.u32 $0xF, s18;
	s21 =	smul.u32 $0x18700, s30  }
0x53: {  	[tilespmem:v0+s20+$0xFFFFFFE0 ss:$0x1] =	vst.idx.msk $0xffff, v59;
	s18 =	smul.u32 $0x30E0, s18  }
.Ltmp4:
0x54: {  	s16 =	sadd.s32 s2, s16;
	[tilespmem:v0+s20+$0xFFFFFFF0 ss:$0x1] =	vst.idx.msk $0xffff, v60;
	s17 =	ssub.s32 s17, s21;
	(pc) =	sbr.rel .LBB1_5-.Ltmp4, $4  }
0x55: {  	s15 =	sadd.s32 s15, s16;
	[tilespmem:v0+s20+$0x0 ss:$0x1] =	vst.idx.msk $0xffff, v61;
	s31 =	sand.u32 $0x7, s17  }
0x56: {  	[tilespmem:v0+s20+$0x10 ss:$0x1] =	vst.idx.msk $0xffff, v62;
	s15 =	sadd.s32 s18, s15;
	s17 =	sshrl.u32 s17, $0x3;
	s16 =	sshll.u32 s31, $0x12  }
0x57: {  	[tilespmem:v0+s20+$0x20 ss:$0x1] =	vst.idx.msk $0xffff, v63;
	s15 =	sadd.s32 s17, s15;
	s16 =	sor.u32 $0x400, s16  }
0x58: {  	[hbm4b:s15+s16] =	stream.strided.scatter [tilespmem:s19], [sflag:$0x2], $0x800, s8, s16, $0x38;
	[tilespmem:$0x2000] =	vst v63  }
.LBB1_6:
0x59: {  	_ =	sfence.sel $0x180000  }
0x5a: {  	s2 =	simm.s32 $0x1;
	[bflag:$0x0] =	sbarrier.arrive $0xFFFF  }
0x5b: {  	s31 =	simm.s32 $0x2;
	[sflag:s2] =	ssyncpa.u1 $0x1  }
0x5c: {  	[sflag:s31] =	ssyncpa.u1 $0x1  }
0x5d: {  	p0 =	sne.s32 s0, $0x0;
	_ =	strace $0x90000047  }
0x5e: {  	s0 =	sadd.s32 @!p0 $0x100000, s1;
	[bflag:$0x2] =	sbarrier.arrive $0xFFFF  }
0x5f: {  	[sflag:s0] =	ssyncadd.tile.s32 @!p0 $0x1;
	_ =	shalt  }
.Lfunc_end1:
_tile_overlayer_lowered:
.L_overlay_start_2:
0x60: {  	(tag) =	ssettag $0x2  }
0x61: {  	s0 =	rddreg [dreg:$0x0];
	s2 =	stileid.u32  }
0x62: {  	s1 =	rddreg [dreg:$0x1];
	p0 =	sne.s32 s2, $0x0  }
0x63: {  	s3 =	rddreg [dreg:$0x2];
	[bflag:$0x3] =	sbarrier.arrive $0xFFFF;
	s2 =	simm.s32 @!p0 $0x1C01  }
0x64: {  	[timem:s3], [sflag:s2] =	dma.local @!p0 [hbm:s0], s1  }
0x65: {  	s0 =	simm.s32 @!p0 $0x1  }
0x66: {  	_ =	swait.ge @!p0 [sflag:s0], s1  }
0x67: {  	s1 =	ssub.s32 @!p0 $0x0, s1;
	[sflag:s0] =	ssyncset.done @!p0 $0x0  }
0x68: {  	[sflag:s0] =	ssyncadd.s32 @!p0 s1  }
0x69: {  	[bflag:$0x3] =	sbarrier.arrive $0xFFFF  }
0x6a: {  	_ =	shalt  }

</sc_bundles>
